<compile_context>
chip_gen: v7x
topology: tpu7x:2x2x1
jax: 0.10.2.dev20260603
libtpu: 0.0.44.dev20260713+nightly
codegen_flags: <defaults>
</compile_context>

<pallas_src>
import functools

import jax
import jax.numpy as jnp
from jax import lax
from jax.experimental import pallas as pl
from jax.experimental.pallas import tpu as pltpu
from jax.experimental.pallas import tpu_sc as plsc

NC, NS = 2, 16
NW = NC * NS
CHUNK = 128
NBUF = 2
RSTAGE = 32


def _emb_body(table_hbm, idx_hbm, out_hbm, idx_raw, idx_st, rows_v, gsem, osem):
    nrows, seq = idx_hbm.shape
    rpw = nrows // NW
    bpw = rpw * seq
    cps = RSTAGE * seq // CHUNK
    nstage = rpw // RSTAGE
    wid = lax.axis_index("s") * NC + lax.axis_index("c")
    base = wid * bpw
    lanes = lax.iota(jnp.int32, 16)
    rmul = (1 << 20) // seq + 1

    def gstart(j, b):
        pltpu.async_copy(
            table_hbm.at[idx_st.at[j]],
            rows_v.at[b], gsem.at[b])

    def gwait(b):
        pltpu.make_async_copy(
            table_hbm.at[idx_st.at[0]],
            rows_v.at[b], gsem.at[b]).wait()

    def ostart(off, b):
        pltpu.async_copy(
            rows_v.at[b],
            out_hbm.at[pl.ds(off, CHUNK)], osem.at[b])

    def owait(b):
        pltpu.make_async_copy(
            rows_v.at[b],
            out_hbm.at[pl.ds(base, CHUNK)], osem.at[b]).wait()

    @pl.loop(0, nstage)
    def _(t):
        pltpu.sync_copy(
            idx_hbm.at[pl.ds(wid * rpw + t * RSTAGE, RSTAGE)], idx_raw)

        @pl.loop(0, cps)
        def _(j):
            for k in range(CHUNK // 16):
                s = j * CHUNK + k * 16 + lanes
                r = lax.shift_right_logical(s * rmul, 20)
                c = s - r * seq
                idx_st[j, pl.ds(k * 16, 16)] = plsc.load_gather(
                    idx_raw, [r, c])

        sbase = base + t * cps * CHUNK
        for b in range(NBUF):
            gstart(b, b)

        @pl.loop(0, cps // NBUF)
        def _(g):
            for b in range(NBUF):
                j = g * NBUF + b
                gwait(b)
                ostart(sbase + j * CHUNK, b)
                owait(b)
                nxt = j + NBUF

                @pl.when(nxt < cps)
                def _():
                    gstart(nxt, b)


def _make_kernel(n_rows, seq, vocab, d_pad):
    rpw = n_rows // NW
    cps = RSTAGE * seq // CHUNK
    mesh = plsc.VectorSubcoreMesh(
        core_axis_name="c", subcore_axis_name="s",
        num_cores=NC, num_subcores=NS)
    return pl.kernel(
        _emb_body,
        out_type=jax.ShapeDtypeStruct((n_rows * seq, d_pad), jnp.float32),
        mesh=mesh,
        scratch_types=[
            pltpu.VMEM((RSTAGE, seq), jnp.int32),
            pltpu.VMEM((cps, CHUNK), jnp.int32),
            pltpu.VMEM((NBUF, CHUNK, d_pad), jnp.float32),
            pltpu.SemaphoreType.DMA((NBUF,)),
            pltpu.SemaphoreType.DMA((NBUF,)),
        ],
        compiler_params=pltpu.CompilerParams(use_tc_tiling_on_sc=True, needs_layout_passes=False),
    )


def kernel(input_ids, table):
    bsz, seq = input_ids.shape
    n_idx = bsz * seq
    vocab, d = table.shape
    d_pad = (d + 127) // 128 * 128
    if d_pad != d:
        table = jnp.pad(table, ((0, 0), (0, d_pad - d)))
    ids = input_ids.astype(jnp.int32)
    out = _make_kernel(bsz, seq, vocab, d_pad)(table, ids)
    return out[:, :d].reshape(bsz, seq, d)

# --- scband reference (transcript-rebuilt; emitter-appended) ---
"""Pipeline reference for scband-word2-vec-embedding-36833639530929 (READ-ONLY COPY).

The authoritative reference and input builder live on the scoring server;
editing this copy changes nothing except your own understanding.
"""

import jax, jax.numpy as jnp
import numpy as np

VOCAB = 100000
EMBED_DIM = 300
BATCH = 4096
SEQ = 200

def setup_inputs(seed: int = 0) -> dict:
    key = jax.random.key(seed)
    k1, k2 = jax.random.split(key)
    # pretrained vectors with a trailing zero row (padding), as in torch.cat([vectors, zeros((1,300))])
    vectors = jax.random.normal(k1, (VOCAB, EMBED_DIM), dtype=jnp.float32)
    table = jnp.concatenate([vectors, jnp.zeros((1, EMBED_DIM), dtype=jnp.float32)], axis=0)
    input_ids = jax.random.randint(k2, (BATCH, SEQ), 0, VOCAB, dtype=jnp.int64 if jax.config.jax_enable_x64 else jnp.int32)
    return {"input_ids": input_ids, "table": table}

def reference(input_ids, table):
    # nn.Embedding lookup: output = embed(input_ids)
    output = jnp.take(table, input_ids, axis=0)
    return output

if __name__ == "__main__":
    import jax
    _d = setup_inputs()
    print(jax.jit(kernel)(*tuple(_d.values())))

</pallas_src>

<mosaic_0001>
#map = affine_map<(d0, d1) -> (0, 0)>
module attributes {stable_mosaic.version = 14 : i64} {
  func.func @_emb_body(%arg0: i32, %arg1: i32, %arg2: memref<100001x384xf32, #tpu.memory_space<hbm>>, %arg3: memref<4096x200xi32, #tpu.memory_space<hbm>>, %arg4: memref<819200x384xf32, #tpu.memory_space<hbm>>, %arg5: memref<32x200xi32, #tpu.memory_space<vmem>>, %arg6: memref<50x128xi32, #tpu.memory_space<vmem>>, %arg7: memref<2x128x384xf32, #tpu.memory_space<vmem>>, %arg8: memref<2x!tpu.dma_semaphore, #tpu.memory_space<semaphore_mem>>, %arg9: memref<2x!tpu.dma_semaphore, #tpu.memory_space<semaphore_mem>>) attributes {dimension_semantics = [#tpu.dimension_semantics<core_parallel>, #tpu.dimension_semantics<subcore_parallel>], iteration_bounds = array<i64: 2, 16>, scalar_prefetch = 0 : i64, scratch_operands = 5 : i64, tpu.core_type = #tpu.core_type<sc_vector_subcore>, window_params = [{transform_indices = #map}, {transform_indices = #map}, {transform_indices = #map}]} {
    %mul3A = arith.constant 2 : i32
    %mul3A_0 = arith.muli %arg1, %mul3A : i32
    %add3A = arith.addi %mul3A_0, %arg0 : i32
    %mul3A_1 = arith.constant 25600 : i32
    %mul3A_2 = arith.muli %add3A, %mul3A_1 : i32
    %iota3A = tpu.iota {dimensions = array<i32: 0>} : vector<16xi32>
    %scan3A = arith.constant 0 : i32
    %scan3A_3 = arith.constant 4 : i32
    %scan3A_4 = arith.addi %scan3A, %scan3A_3 : i32
    %scan3A_5 = arith.constant 1 : i32
    scf.for %scan3A_7 = %scan3A to %scan3A_4 step %scan3A_5  : i32 {
      %mul3A_8 = arith.constant 1 : i32
      %mul3A_9 = arith.muli %scan3A_7, %mul3A_8 : i32
      %add3A_10 = arith.constant 0 : i32
      %add3A_11 = arith.addi %add3A_10, %mul3A_9 : i32
      %mul3A_12 = arith.constant 128 : i32
      %mul3A_13 = arith.muli %add3A, %mul3A_12 : i32
      %mul3A_14 = arith.constant 32 : i32
      %mul3A_15 = arith.muli %add3A_11, %mul3A_14 : i32
      %add3A_16 = arith.addi %mul3A_13, %mul3A_15 : i32
      "tpu.region"() ({
        %run_scoped3A = tpu.sem_alloc : memref<!tpu.dma_semaphore, #tpu.memory_space<semaphore_mem>>
        %dma_start3A_61 = arith.constant 0 : i32
        %dma_start3A_62 = tpu.memref_slice %arg3[%add3A_16, %dma_start3A_61] : memref<4096x200xi32, #tpu.memory_space<hbm>> -> memref<32x200xi32, #tpu.memory_space<hbm>>
        %dma_start3A_63 = arith.constant 0 : i32
        %dma_start3A_64 = tpu.memref_slice %arg3[%add3A_16, %dma_start3A_63] : memref<4096x200xi32, #tpu.memory_space<hbm>> -> memref<32x200xi32, #tpu.memory_space<hbm>>
        tpu.enqueue_dma source(%dma_start3A_64 : memref<32x200xi32, #tpu.memory_space<hbm>>) target(%arg5 : memref<32x200xi32, #tpu.memory_space<vmem>>) target_semaphore(%run_scoped3A : memref<!tpu.dma_semaphore, #tpu.memory_space<semaphore_mem>>)
        %dma_wait3A = arith.constant 0 : i32
        %dma_wait3A_65 = tpu.memref_slice %arg3[%add3A_16, %dma_wait3A] : memref<4096x200xi32, #tpu.memory_space<hbm>> -> memref<32x200xi32, #tpu.memory_space<hbm>>
        %dma_wait3A_66 = arith.constant 0 : i32
        %dma_wait3A_67 = tpu.memref_slice %arg3[%add3A_16, %dma_wait3A_66] : memref<4096x200xi32, #tpu.memory_space<hbm>> -> memref<32x200xi32, #tpu.memory_space<hbm>>
        tpu.wait_dma2 semaphore(%run_scoped3A : memref<!tpu.dma_semaphore, #tpu.memory_space<semaphore_mem>>) src(%dma_wait3A_67 : memref<32x200xi32, #tpu.memory_space<hbm>>) dst(%arg5 : memref<32x200xi32, #tpu.memory_space<vmem>>)
        tpu.yield
      }) : () -> ()
      %scan3A_17 = arith.constant 0 : i32
      %scan3A_18 = arith.constant 50 : i32
      %scan3A_19 = arith.addi %scan3A_17, %scan3A_18 : i32
      %scan3A_20 = arith.constant 1 : i32
      scf.for %scan3A_61 = %scan3A_17 to %scan3A_19 step %scan3A_20  : i32 {
        %mul3A_62 = arith.constant 1 : i32
        %mul3A_63 = arith.muli %scan3A_61, %mul3A_62 : i32
        %add3A_64 = arith.constant 0 : i32
        %add3A_65 = arith.addi %add3A_64, %mul3A_63 : i32
        %mul3A_66 = arith.constant 128 : i32
        %mul3A_67 = arith.muli %add3A_65, %mul3A_66 : i32
        %add3A_68 = arith.constant 0 : i32
        %add3A_69 = arith.addi %mul3A_67, %add3A_68 : i32
        %add3A_70 = vector.broadcast %add3A_69 : i32 to vector<16xi32>
        %add3A_71 = arith.addi %add3A_70, %iota3A : vector<16xi32>
        %mul3A_72 = arith.constant 5243 : i32
        %mul3A_73 = vector.broadcast %mul3A_72 : i32 to vector<16xi32>
        %mul3A_74 = arith.muli %add3A_71, %mul3A_73 : vector<16xi32>
        %shift_right_logical3A = arith.constant 20 : i32
        %shift_right_logical3A_75 = vector.broadcast %shift_right_logical3A : i32 to vector<16xi32>
        %shift_right_logical3A_76 = arith.shrui %mul3A_74, %shift_right_logical3A_75 : vector<16xi32>
        %mul3A_77 = arith.constant 200 : i32
        %mul3A_78 = vector.broadcast %mul3A_77 : i32 to vector<16xi32>
        %mul3A_79 = arith.muli %shift_right_logical3A_76, %mul3A_78 : vector<16xi32>
        %sub3A = arith.subi %add3A_71, %mul3A_79 : vector<16xi32>
        %gather3A = tpu.vector_load_idx %arg5[%shift_right_logical3A_76, %sub3A] : memref<32x200xi32, #tpu.memory_space<vmem>>[vector<16xi32>, vector<16xi32>], vector<16xi32>,
        %swap3A = arith.index_cast %add3A_65 : i32 to index
        %swap3A_80 = arith.constant 0 : index
        %swap3A_81 = tpu.vector_load %arg6[%swap3A, %swap3A_80] {strides = array<i32>} : memref<50x128xi32, #tpu.memory_space<vmem>>, vector<16xi32>,
        tpu.vector_store %arg6[%swap3A, %swap3A_80], %gather3A {strides = array<i32>} : memref<50x128xi32, #tpu.memory_space<vmem>>, vector<16xi32>,
        %mul3A_82 = arith.constant 128 : i32
        %mul3A_83 = arith.muli %add3A_65, %mul3A_82 : i32
        %add3A_84 = arith.constant 16 : i32
        %add3A_85 = arith.addi %mul3A_83, %add3A_84 : i32
        %add3A_86 = vector.broadcast %add3A_85 : i32 to vector<16xi32>
        %add3A_87 = arith.addi %add3A_86, %iota3A : vector<16xi32>
        %mul3A_88 = arith.constant 5243 : i32
        %mul3A_89 = vector.broadcast %mul3A_88 : i32 to vector<16xi32>
        %mul3A_90 = arith.muli %add3A_87, %mul3A_89 : vector<16xi32>
        %shift_right_logical3A_91 = arith.constant 20 : i32
        %shift_right_logical3A_92 = vector.broadcast %shift_right_logical3A_91 : i32 to vector<16xi32>
        %shift_right_logical3A_93 = arith.shrui %mul3A_90, %shift_right_logical3A_92 : vector<16xi32>
        %mul3A_94 = arith.constant 200 : i32
        %mul3A_95 = vector.broadcast %mul3A_94 : i32 to vector<16xi32>
        %mul3A_96 = arith.muli %shift_right_logical3A_93, %mul3A_95 : vector<16xi32>
        %sub3A_97 = arith.subi %add3A_87, %mul3A_96 : vector<16xi32>
        %gather3A_98 = tpu.vector_load_idx %arg5[%shift_right_logical3A_93, %sub3A_97] : memref<32x200xi32, #tpu.memory_space<vmem>>[vector<16xi32>, vector<16xi32>], vector<16xi32>,
        %swap3A_99 = arith.index_cast %add3A_65 : i32 to index
        %swap3A_100 = arith.constant 16 : index
        %swap3A_101 = tpu.vector_load %arg6[%swap3A_99, %swap3A_100] {strides = array<i32>} : memref<50x128xi32, #tpu.memory_space<vmem>>, vector<16xi32>,
        tpu.vector_store %arg6[%swap3A_99, %swap3A_100], %gather3A_98 {strides = array<i32>} : memref<50x128xi32, #tpu.memory_space<vmem>>, vector<16xi32>,
        %mul3A_102 = arith.constant 128 : i32
        %mul3A_103 = arith.muli %add3A_65, %mul3A_102 : i32
        %add3A_104 = arith.constant 32 : i32
        %add3A_105 = arith.addi %mul3A_103, %add3A_104 : i32
        %add3A_106 = vector.broadcast %add3A_105 : i32 to vector<16xi32>
        %add3A_107 = arith.addi %add3A_106, %iota3A : vector<16xi32>
        %mul3A_108 = arith.constant 5243 : i32
        %mul3A_109 = vector.broadcast %mul3A_108 : i32 to vector<16xi32>
        %mul3A_110 = arith.muli %add3A_107, %mul3A_109 : vector<16xi32>
        %shift_right_logical3A_111 = arith.constant 20 : i32
        %shift_right_logical3A_112 = vector.broadcast %shift_right_logical3A_111 : i32 to vector<16xi32>
        %shift_right_logical3A_113 = arith.shrui %mul3A_110, %shift_right_logical3A_112 : vector<16xi32>
        %mul3A_114 = arith.constant 200 : i32
        %mul3A_115 = vector.broadcast %mul3A_114 : i32 to vector<16xi32>
        %mul3A_116 = arith.muli %shift_right_logical3A_113, %mul3A_115 : vector<16xi32>
        %sub3A_117 = arith.subi %add3A_107, %mul3A_116 : vector<16xi32>
        %gather3A_118 = tpu.vector_load_idx %arg5[%shift_right_logical3A_113, %sub3A_117] : memref<32x200xi32, #tpu.memory_space<vmem>>[vector<16xi32>, vector<16xi32>], vector<16xi32>,
        %swap3A_119 = arith.index_cast %add3A_65 : i32 to index
        %swap3A_120 = arith.constant 32 : index
        %swap3A_121 = tpu.vector_load %arg6[%swap3A_119, %swap3A_120] {strides = array<i32>} : memref<50x128xi32, #tpu.memory_space<vmem>>, vector<16xi32>,
        tpu.vector_store %arg6[%swap3A_119, %swap3A_120], %gather3A_118 {strides = array<i32>} : memref<50x128xi32, #tpu.memory_space<vmem>>, vector<16xi32>,
        %mul3A_122 = arith.constant 128 : i32
        %mul3A_123 = arith.muli %add3A_65, %mul3A_122 : i32
        %add3A_124 = arith.constant 48 : i32
        %add3A_125 = arith.addi %mul3A_123, %add3A_124 : i32
        %add3A_126 = vector.broadcast %add3A_125 : i32 to vector<16xi32>
        %add3A_127 = arith.addi %add3A_126, %iota3A : vector<16xi32>
        %mul3A_128 = arith.constant 5243 : i32
        %mul3A_129 = vector.broadcast %mul3A_128 : i32 to vector<16xi32>
        %mul3A_130 = arith.muli %add3A_127, %mul3A_129 : vector<16xi32>
        %shift_right_logical3A_131 = arith.constant 20 : i32
        %shift_right_logical3A_132 = vector.broadcast %shift_right_logical3A_131 : i32 to vector<16xi32>
        %shift_right_logical3A_133 = arith.shrui %mul3A_130, %shift_right_logical3A_132 : vector<16xi32>
        %mul3A_134 = arith.constant 200 : i32
        %mul3A_135 = vector.broadcast %mul3A_134 : i32 to vector<16xi32>
        %mul3A_136 = arith.muli %shift_right_logical3A_133, %mul3A_135 : vector<16xi32>
        %sub3A_137 = arith.subi %add3A_127, %mul3A_136 : vector<16xi32>
        %gather3A_138 = tpu.vector_load_idx %arg5[%shift_right_logical3A_133, %sub3A_137] : memref<32x200xi32, #tpu.memory_space<vmem>>[vector<16xi32>, vector<16xi32>], vector<16xi32>,
        %swap3A_139 = arith.index_cast %add3A_65 : i32 to index
        %swap3A_140 = arith.constant 48 : index
        %swap3A_141 = tpu.vector_load %arg6[%swap3A_139, %swap3A_140] {strides = array<i32>} : memref<50x128xi32, #tpu.memory_space<vmem>>, vector<16xi32>,
        tpu.vector_store %arg6[%swap3A_139, %swap3A_140], %gather3A_138 {strides = array<i32>} : memref<50x128xi32, #tpu.memory_space<vmem>>, vector<16xi32>,
        %mul3A_142 = arith.constant 128 : i32
        %mul3A_143 = arith.muli %add3A_65, %mul3A_142 : i32
        %add3A_144 = arith.constant 64 : i32
        %add3A_145 = arith.addi %mul3A_143, %add3A_144 : i32
        %add3A_146 = vector.broadcast %add3A_145 : i32 to vector<16xi32>
        %add3A_147 = arith.addi %add3A_146, %iota3A : vector<16xi32>
        %mul3A_148 = arith.constant 5243 : i32
        %mul3A_149 = vector.broadcast %mul3A_148 : i32 to vector<16xi32>
        %mul3A_150 = arith.muli %add3A_147, %mul3A_149 : vector<16xi32>
        %shift_right_logical3A_151 = arith.constant 20 : i32
        %shift_right_logical3A_152 = vector.broadcast %shift_right_logical3A_151 : i32 to vector<16xi32>
        %shift_right_logical3A_153 = arith.shrui %mul3A_150, %shift_right_logical3A_152 : vector<16xi32>
        %mul3A_154 = arith.constant 200 : i32
        %mul3A_155 = vector.broadcast %mul3A_154 : i32 to vector<16xi32>
        %mul3A_156 = arith.muli %shift_right_logical3A_153, %mul3A_155 : vector<16xi32>
        %sub3A_157 = arith.subi %add3A_147, %mul3A_156 : vector<16xi32>
        %gather3A_158 = tpu.vector_load_idx %arg5[%shift_right_logical3A_153, %sub3A_157] : memref<32x200xi32, #tpu.memory_space<vmem>>[vector<16xi32>, vector<16xi32>], vector<16xi32>,
        %swap3A_159 = arith.index_cast %add3A_65 : i32 to index
        %swap3A_160 = arith.constant 64 : index
        %swap3A_161 = tpu.vector_load %arg6[%swap3A_159, %swap3A_160] {strides = array<i32>} : memref<50x128xi32, #tpu.memory_space<vmem>>, vector<16xi32>,
        tpu.vector_store %arg6[%swap3A_159, %swap3A_160], %gather3A_158 {strides = array<i32>} : memref<50x128xi32, #tpu.memory_space<vmem>>, vector<16xi32>,
        %mul3A_162 = arith.constant 128 : i32
        %mul3A_163 = arith.muli %add3A_65, %mul3A_162 : i32
        %add3A_164 = arith.constant 80 : i32
        %add3A_165 = arith.addi %mul3A_163, %add3A_164 : i32
        %add3A_166 = vector.broadcast %add3A_165 : i32 to vector<16xi32>
        %add3A_167 = arith.addi %add3A_166, %iota3A : vector<16xi32>
        %mul3A_168 = arith.constant 5243 : i32
        %mul3A_169 = vector.broadcast %mul3A_168 : i32 to vector<16xi32>
        %mul3A_170 = arith.muli %add3A_167, %mul3A_169 : vector<16xi32>
        %shift_right_logical3A_171 = arith.constant 20 : i32
        %shift_right_logical3A_172 = vector.broadcast %shift_right_logical3A_171 : i32 to vector<16xi32>
        %shift_right_logical3A_173 = arith.shrui %mul3A_170, %shift_right_logical3A_172 : vector<16xi32>
        %mul3A_174 = arith.constant 200 : i32
        %mul3A_175 = vector.broadcast %mul3A_174 : i32 to vector<16xi32>
        %mul3A_176 = arith.muli %shift_right_logical3A_173, %mul3A_175 : vector<16xi32>
        %sub3A_177 = arith.subi %add3A_167, %mul3A_176 : vector<16xi32>
        %gather3A_178 = tpu.vector_load_idx %arg5[%shift_right_logical3A_173, %sub3A_177] : memref<32x200xi32, #tpu.memory_space<vmem>>[vector<16xi32>, vector<16xi32>], vector<16xi32>,
        %swap3A_179 = arith.index_cast %add3A_65 : i32 to index
        %swap3A_180 = arith.constant 80 : index
        %swap3A_181 = tpu.vector_load %arg6[%swap3A_179, %swap3A_180] {strides = array<i32>} : memref<50x128xi32, #tpu.memory_space<vmem>>, vector<16xi32>,
        tpu.vector_store %arg6[%swap3A_179, %swap3A_180], %gather3A_178 {strides = array<i32>} : memref<50x128xi32, #tpu.memory_space<vmem>>, vector<16xi32>,
        %mul3A_182 = arith.constant 128 : i32
        %mul3A_183 = arith.muli %add3A_65, %mul3A_182 : i32
        %add3A_184 = arith.constant 96 : i32
        %add3A_185 = arith.addi %mul3A_183, %add3A_184 : i32
        %add3A_186 = vector.broadcast %add3A_185 : i32 to vector<16xi32>
        %add3A_187 = arith.addi %add3A_186, %iota3A : vector<16xi32>
        %mul3A_188 = arith.constant 5243 : i32
        %mul3A_189 = vector.broadcast %mul3A_188 : i32 to vector<16xi32>
        %mul3A_190 = arith.muli %add3A_187, %mul3A_189 : vector<16xi32>
        %shift_right_logical3A_191 = arith.constant 20 : i32
        %shift_right_logical3A_192 = vector.broadcast %shift_right_logical3A_191 : i32 to vector<16xi32>
        %shift_right_logical3A_193 = arith.shrui %mul3A_190, %shift_right_logical3A_192 : vector<16xi32>
        %mul3A_194 = arith.constant 200 : i32
        %mul3A_195 = vector.broadcast %mul3A_194 : i32 to vector<16xi32>
        %mul3A_196 = arith.muli %shift_right_logical3A_193, %mul3A_195 : vector<16xi32>
        %sub3A_197 = arith.subi %add3A_187, %mul3A_196 : vector<16xi32>
        %gather3A_198 = tpu.vector_load_idx %arg5[%shift_right_logical3A_193, %sub3A_197] : memref<32x200xi32, #tpu.memory_space<vmem>>[vector<16xi32>, vector<16xi32>], vector<16xi32>,
        %swap3A_199 = arith.index_cast %add3A_65 : i32 to index
        %swap3A_200 = arith.constant 96 : index
        %swap3A_201 = tpu.vector_load %arg6[%swap3A_199, %swap3A_200] {strides = array<i32>} : memref<50x128xi32, #tpu.memory_space<vmem>>, vector<16xi32>,
        tpu.vector_store %arg6[%swap3A_199, %swap3A_200], %gather3A_198 {strides = array<i32>} : memref<50x128xi32, #tpu.memory_space<vmem>>, vector<16xi32>,
        %mul3A_202 = arith.constant 128 : i32
        %mul3A_203 = arith.muli %add3A_65, %mul3A_202 : i32
        %add3A_204 = arith.constant 112 : i32
        %add3A_205 = arith.addi %mul3A_203, %add3A_204 : i32
        %add3A_206 = vector.broadcast %add3A_205 : i32 to vector<16xi32>
        %add3A_207 = arith.addi %add3A_206, %iota3A : vector<16xi32>
        %mul3A_208 = arith.constant 5243 : i32
        %mul3A_209 = vector.broadcast %mul3A_208 : i32 to vector<16xi32>
        %mul3A_210 = arith.muli %add3A_207, %mul3A_209 : vector<16xi32>
        %shift_right_logical3A_211 = arith.constant 20 : i32
        %shift_right_logical3A_212 = vector.broadcast %shift_right_logical3A_211 : i32 to vector<16xi32>
        %shift_right_logical3A_213 = arith.shrui %mul3A_210, %shift_right_logical3A_212 : vector<16xi32>
        %mul3A_214 = arith.constant 200 : i32
        %mul3A_215 = vector.broadcast %mul3A_214 : i32 to vector<16xi32>
        %mul3A_216 = arith.muli %shift_right_logical3A_213, %mul3A_215 : vector<16xi32>
        %sub3A_217 = arith.subi %add3A_207, %mul3A_216 : vector<16xi32>
        %gather3A_218 = tpu.vector_load_idx %arg5[%shift_right_logical3A_213, %sub3A_217] : memref<32x200xi32, #tpu.memory_space<vmem>>[vector<16xi32>, vector<16xi32>], vector<16xi32>,
        %swap3A_219 = arith.index_cast %add3A_65 : i32 to index
        %swap3A_220 = arith.constant 112 : index
        %swap3A_221 = tpu.vector_load %arg6[%swap3A_219, %swap3A_220] {strides = array<i32>} : memref<50x128xi32, #tpu.memory_space<vmem>>, vector<16xi32>,
        tpu.vector_store %arg6[%swap3A_219, %swap3A_220], %gather3A_218 {strides = array<i32>} : memref<50x128xi32, #tpu.memory_space<vmem>>, vector<16xi32>,
      }
      %scan3A_21 = arith.constant 50 : i32
      %mul3A_22 = arith.constant 50 : i32
      %mul3A_23 = arith.muli %add3A_11, %mul3A_22 : i32
      %mul3A_24 = arith.constant 128 : i32
      %mul3A_25 = arith.muli %mul3A_23, %mul3A_24 : i32
      %add3A_26 = arith.addi %mul3A_2, %mul3A_25 : i32
      %dma_start3A = arith.constant 0 : i32
      %dma_start3A_27 = arith.constant 0 : i32
      %dma_start3A_28 = arith.constant 0 : i32
      %dma_start3A_29 = arith.constant 0 : i32
      %dma_start3A_30 = arith.constant 0 : i32
      %dma_start3A_31 = tpu.memref_slice %arg7[%dma_start3A_27, %dma_start3A_29, %dma_start3A_30] : memref<2x128x384xf32, #tpu.memory_space<vmem>> -> memref<1x128x384xf32, #tpu.memory_space<vmem>>
      %dma_start3A_32 = tpu.memref_squeeze %dma_start3A_31 : memref<1x128x384xf32, #tpu.memory_space<vmem>> -> memref<128x384xf32, #tpu.memory_space<vmem>>
      %dma_start3A_33 = arith.constant 0 : i32
      %dma_start3A_34 = tpu.memref_slice %arg6[%dma_start3A, %dma_start3A_33] : memref<50x128xi32, #tpu.memory_space<vmem>> -> memref<1x128xi32, #tpu.memory_space<vmem>>
      %dma_start3A_35 = tpu.memref_squeeze %dma_start3A_34 : memref<1x128xi32, #tpu.memory_space<vmem>> -> memref<128xi32, #tpu.memory_space<vmem>>
      %dma_start3A_36 = arith.constant 0 : i32
      %dma_start3A_37 = arith.constant 0 : i32
      %dma_start3A_38 = tpu.memref_slice %arg2[%dma_start3A_36, %dma_start3A_37] : memref<100001x384xf32, #tpu.memory_space<hbm>> -> memref<100001x384xf32, #tpu.memory_space<hbm>>
      %dma_start3A_39 = tpu.memref_slice %arg8[%dma_start3A_28] : memref<2x!tpu.dma_semaphore, #tpu.memory_space<semaphore_mem>> -> memref<1x!tpu.dma_semaphore, #tpu.memory_space<semaphore_mem>>
      %dma_start3A_40 = tpu.memref_squeeze %dma_start3A_39 : memref<1x!tpu.dma_semaphore, #tpu.memory_space<semaphore_mem>> -> memref<!tpu.dma_semaphore, #tpu.memory_space<semaphore_mem>>
      tpu.enqueue_indirect_dma source(%dma_start3A_38 : memref<100001x384xf32, #tpu.memory_space<hbm>>) target(%dma_start3A_32 : memref<128x384xf32, #tpu.memory_space<vmem>>) offsets(%dma_start3A_35 : memref<128xi32, #tpu.memory_space<vmem>>) semaphore(%dma_start3A_40 : memref<!tpu.dma_semaphore, #tpu.memory_space<semaphore_mem>>)
      %dma_start3A_41 = arith.constant 1 : i32
      %dma_start3A_42 = arith.constant 1 : i32
      %dma_start3A_43 = arith.constant 1 : i32
      %dma_start3A_44 = arith.constant 0 : i32
      %dma_start3A_45 = arith.constant 0 : i32
      %dma_start3A_46 = tpu.memref_slice %arg7[%dma_start3A_42, %dma_start3A_44, %dma_start3A_45] : memref<2x128x384xf32, #tpu.memory_space<vmem>> -> memref<1x128x384xf32, #tpu.memory_space<vmem>>
      %dma_start3A_47 = tpu.memref_squeeze %dma_start3A_46 : memref<1x128x384xf32, #tpu.memory_space<vmem>> -> memref<128x384xf32, #tpu.memory_space<vmem>>
      %dma_start3A_48 = arith.constant 0 : i32
      %dma_start3A_49 = tpu.memref_slice %arg6[%dma_start3A_41, %dma_start3A_48] : memref<50x128xi32, #tpu.memory_space<vmem>> -> memref<1x128xi32, #tpu.memory_space<vmem>>
      %dma_start3A_50 = tpu.memref_squeeze %dma_start3A_49 : memref<1x128xi32, #tpu.memory_space<vmem>> -> memref<128xi32, #tpu.memory_space<vmem>>
      %dma_start3A_51 = arith.constant 0 : i32
      %dma_start3A_52 = arith.constant 0 : i32
      %dma_start3A_53 = tpu.memref_slice %arg2[%dma_start3A_51, %dma_start3A_52] : memref<100001x384xf32, #tpu.memory_space<hbm>> -> memref<100001x384xf32, #tpu.memory_space<hbm>>
      %dma_start3A_54 = tpu.memref_slice %arg8[%dma_start3A_43] : memref<2x!tpu.dma_semaphore, #tpu.memory_space<semaphore_mem>> -> memref<1x!tpu.dma_semaphore, #tpu.memory_space<semaphore_mem>>
      %dma_start3A_55 = tpu.memref_squeeze %dma_start3A_54 : memref<1x!tpu.dma_semaphore, #tpu.memory_space<semaphore_mem>> -> memref<!tpu.dma_semaphore, #tpu.memory_space<semaphore_mem>>
      tpu.enqueue_indirect_dma source(%dma_start3A_53 : memref<100001x384xf32, #tpu.memory_space<hbm>>) target(%dma_start3A_47 : memref<128x384xf32, #tpu.memory_space<vmem>>) offsets(%dma_start3A_50 : memref<128xi32, #tpu.memory_space<vmem>>) semaphore(%dma_start3A_55 : memref<!tpu.dma_semaphore, #tpu.memory_space<semaphore_mem>>)
      %scan3A_56 = arith.constant 0 : i32
      %scan3A_57 = arith.constant 25 : i32
      %scan3A_58 = arith.addi %scan3A_56, %scan3A_57 : i32
      %scan3A_59 = arith.constant 1 : i32
      scf.for %scan3A_61 = %scan3A_56 to %scan3A_58 step %scan3A_59  : i32 {
        %mul3A_62 = arith.constant 1 : i32
        %mul3A_63 = arith.muli %scan3A_61, %mul3A_62 : i32
        %add3A_64 = arith.constant 0 : i32
        %add3A_65 = arith.addi %add3A_64, %mul3A_63 : i32
        %mul3A_66 = arith.constant 2 : i32
        %mul3A_67 = arith.muli %add3A_65, %mul3A_66 : i32
        %add3A_68 = arith.constant 0 : i32
        %add3A_69 = arith.addi %mul3A_67, %add3A_68 : i32
        %dma_wait3A = arith.constant 0 : i32
        %dma_wait3A_70 = arith.constant 0 : i32
        %dma_wait3A_71 = arith.constant 0 : i32
        %dma_wait3A_72 = arith.constant 0 : i32
        %dma_wait3A_73 = arith.constant 0 : i32
        %dma_wait3A_74 = tpu.memref_slice %arg7[%dma_wait3A_70, %dma_wait3A_72, %dma_wait3A_73] : memref<2x128x384xf32, #tpu.memory_space<vmem>> -> memref<1x128x384xf32, #tpu.memory_space<vmem>>
        %dma_wait3A_75 = tpu.memref_squeeze %dma_wait3A_74 : memref<1x128x384xf32, #tpu.memory_space<vmem>> -> memref<128x384xf32, #tpu.memory_space<vmem>>
        %dma_wait3A_76 = arith.constant 0 : i32
        %dma_wait3A_77 = tpu.memref_slice %arg6[%dma_wait3A, %dma_wait3A_76] : memref<50x128xi32, #tpu.memory_space<vmem>> -> memref<1x128xi32, #tpu.memory_space<vmem>>
        %dma_wait3A_78 = tpu.memref_squeeze %dma_wait3A_77 : memref<1x128xi32, #tpu.memory_space<vmem>> -> memref<128xi32, #tpu.memory_space<vmem>>
        %dma_wait3A_79 = arith.constant 0 : i32
        %dma_wait3A_80 = arith.constant 0 : i32
        %dma_wait3A_81 = tpu.memref_slice %arg2[%dma_wait3A_79, %dma_wait3A_80] : memref<100001x384xf32, #tpu.memory_space<hbm>> -> memref<100001x384xf32, #tpu.memory_space<hbm>>
        %dma_wait3A_82 = tpu.memref_slice %arg8[%dma_wait3A_71] : memref<2x!tpu.dma_semaphore, #tpu.memory_space<semaphore_mem>> -> memref<1x!tpu.dma_semaphore, #tpu.memory_space<semaphore_mem>>
        %dma_wait3A_83 = tpu.memref_squeeze %dma_wait3A_82 : memref<1x!tpu.dma_semaphore, #tpu.memory_space<semaphore_mem>> -> memref<!tpu.dma_semaphore, #tpu.memory_space<semaphore_mem>>
        tpu.wait_indirect_dma semaphore(%dma_wait3A_83 : memref<!tpu.dma_semaphore, #tpu.memory_space<semaphore_mem>>) src(%dma_wait3A_81 : memref<100001x384xf32, #tpu.memory_space<hbm>>) dst(%dma_wait3A_75 : memref<128x384xf32, #tpu.memory_space<vmem>>)
        %mul3A_84 = arith.constant 128 : i32
        %mul3A_85 = arith.muli %add3A_69, %mul3A_84 : i32
        %add3A_86 = arith.addi %add3A_26, %mul3A_85 : i32
        %dma_start3A_87 = arith.constant 0 : i32
        %dma_start3A_88 = arith.constant 0 : i32
        %dma_start3A_89 = arith.constant 0 : i32
        %dma_start3A_90 = arith.constant 0 : i32
        %dma_start3A_91 = tpu.memref_slice %arg7[%dma_start3A_87, %dma_start3A_89, %dma_start3A_90] : memref<2x128x384xf32, #tpu.memory_space<vmem>> -> memref<1x128x384xf32, #tpu.memory_space<vmem>>
        %dma_start3A_92 = tpu.memref_squeeze %dma_start3A_91 : memref<1x128x384xf32, #tpu.memory_space<vmem>> -> memref<128x384xf32, #tpu.memory_space<vmem>>
        %dma_start3A_93 = arith.constant 0 : i32
        %dma_start3A_94 = tpu.memref_slice %arg4[%add3A_86, %dma_start3A_93] : memref<819200x384xf32, #tpu.memory_space<hbm>> -> memref<128x384xf32, #tpu.memory_space<hbm>>
        %dma_start3A_95 = tpu.memref_slice %arg9[%dma_start3A_88] : memref<2x!tpu.dma_semaphore, #tpu.memory_space<semaphore_mem>> -> memref<1x!tpu.dma_semaphore, #tpu.memory_space<semaphore_mem>>
        %dma_start3A_96 = tpu.memref_squeeze %dma_start3A_95 : memref<1x!tpu.dma_semaphore, #tpu.memory_space<semaphore_mem>> -> memref<!tpu.dma_semaphore, #tpu.memory_space<semaphore_mem>>
        %dma_start3A_97 = arith.constant 0 : i32
        %dma_start3A_98 = tpu.memref_slice %arg4[%add3A_86, %dma_start3A_97] : memref<819200x384xf32, #tpu.memory_space<hbm>> -> memref<128x384xf32, #tpu.memory_space<hbm>>
        %dma_start3A_99 = arith.constant 0 : i32
        %dma_start3A_100 = arith.constant 0 : i32
        %dma_start3A_101 = tpu.memref_slice %arg7[%dma_start3A_87, %dma_start3A_99, %dma_start3A_100] : memref<2x128x384xf32, #tpu.memory_space<vmem>> -> memref<1x128x384xf32, #tpu.memory_space<vmem>>
        %dma_start3A_102 = tpu.memref_squeeze %dma_start3A_101 : memref<1x128x384xf32, #tpu.memory_space<vmem>> -> memref<128x384xf32, #tpu.memory_space<vmem>>
        tpu.enqueue_dma source(%dma_start3A_102 : memref<128x384xf32, #tpu.memory_space<vmem>>) target(%dma_start3A_98 : memref<128x384xf32, #tpu.memory_space<hbm>>) target_semaphore(%dma_start3A_96 : memref<!tpu.dma_semaphore, #tpu.memory_space<semaphore_mem>>)
        %dma_wait3A_103 = arith.constant 0 : i32
        %dma_wait3A_104 = arith.constant 0 : i32
        %dma_wait3A_105 = arith.constant 0 : i32
        %dma_wait3A_106 = arith.constant 0 : i32
        %dma_wait3A_107 = tpu.memref_slice %arg7[%dma_wait3A_103, %dma_wait3A_105, %dma_wait3A_106] : memref<2x128x384xf32, #tpu.memory_space<vmem>> -> memref<1x128x384xf32, #tpu.memory_space<vmem>>
        %dma_wait3A_108 = tpu.memref_squeeze %dma_wait3A_107 : memref<1x128x384xf32, #tpu.memory_space<vmem>> -> memref<128x384xf32, #tpu.memory_space<vmem>>
        %dma_wait3A_109 = arith.constant 0 : i32
        %dma_wait3A_110 = tpu.memref_slice %arg4[%mul3A_2, %dma_wait3A_109] : memref<819200x384xf32, #tpu.memory_space<hbm>> -> memref<128x384xf32, #tpu.memory_space<hbm>>
        %dma_wait3A_111 = tpu.memref_slice %arg9[%dma_wait3A_104] : memref<2x!tpu.dma_semaphore, #tpu.memory_space<semaphore_mem>> -> memref<1x!tpu.dma_semaphore, #tpu.memory_space<semaphore_mem>>
        %dma_wait3A_112 = tpu.memref_squeeze %dma_wait3A_111 : memref<1x!tpu.dma_semaphore, #tpu.memory_space<semaphore_mem>> -> memref<!tpu.dma_semaphore, #tpu.memory_space<semaphore_mem>>
        %dma_wait3A_113 = arith.constant 0 : i32
        %dma_wait3A_114 = tpu.memref_slice %arg4[%mul3A_2, %dma_wait3A_113] : memref<819200x384xf32, #tpu.memory_space<hbm>> -> memref<128x384xf32, #tpu.memory_space<hbm>>
        %dma_wait3A_115 = arith.constant 0 : i32
        %dma_wait3A_116 = arith.constant 0 : i32
        %dma_wait3A_117 = tpu.memref_slice %arg7[%dma_wait3A_103, %dma_wait3A_115, %dma_wait3A_116] : memref<2x128x384xf32, #tpu.memory_space<vmem>> -> memref<1x128x384xf32, #tpu.memory_space<vmem>>
        %dma_wait3A_118 = tpu.memref_squeeze %dma_wait3A_117 : memref<1x128x384xf32, #tpu.memory_space<vmem>> -> memref<128x384xf32, #tpu.memory_space<vmem>>
        tpu.wait_dma2 semaphore(%dma_wait3A_112 : memref<!tpu.dma_semaphore, #tpu.memory_space<semaphore_mem>>) src(%dma_wait3A_118 : memref<128x384xf32, #tpu.memory_space<vmem>>) dst(%dma_wait3A_114 : memref<128x384xf32, #tpu.memory_space<hbm>>)
        %add3A_119 = arith.constant 2 : i32
        %add3A_120 = arith.addi %add3A_69, %add3A_119 : i32
        %lt3A = arith.constant 50 : i32
        %lt3A_121 = arith.cmpi slt, %add3A_120, %lt3A : i32
        %convert_element_type3A = arith.extui %lt3A_121 : i1 to i32
        %cond3A = arith.constant 0 : i32
        %cond3A_122 = arith.cmpi ne, %convert_element_type3A, %cond3A : i32
        scf.if %cond3A_122 {
          %dma_start3A_184 = arith.constant 0 : i32
          %dma_start3A_185 = arith.constant 0 : i32
          %dma_start3A_186 = arith.constant 0 : i32
          %dma_start3A_187 = arith.constant 0 : i32
          %dma_start3A_188 = tpu.memref_slice %arg7[%dma_start3A_184, %dma_start3A_186, %dma_start3A_187] : memref<2x128x384xf32, #tpu.memory_space<vmem>> -> memref<1x128x384xf32, #tpu.memory_space<vmem>>
          %dma_start3A_189 = tpu.memref_squeeze %dma_start3A_188 : memref<1x128x384xf32, #tpu.memory_space<vmem>> -> memref<128x384xf32, #tpu.memory_space<vmem>>
          %dma_start3A_190 = arith.constant 0 : i32
          %dma_start3A_191 = tpu.memref_slice %arg6[%add3A_120, %dma_start3A_190] : memref<50x128xi32, #tpu.memory_space<vmem>> -> memref<1x128xi32, #tpu.memory_space<vmem>>
          %dma_start3A_192 = tpu.memref_squeeze %dma_start3A_191 : memref<1x128xi32, #tpu.memory_space<vmem>> -> memref<128xi32, #tpu.memory_space<vmem>>
          %dma_start3A_193 = arith.constant 0 : i32
          %dma_start3A_194 = arith.constant 0 : i32
          %dma_start3A_195 = tpu.memref_slice %arg2[%dma_start3A_193, %dma_start3A_194] : memref<100001x384xf32, #tpu.memory_space<hbm>> -> memref<100001x384xf32, #tpu.memory_space<hbm>>
          %dma_start3A_196 = tpu.memref_slice %arg8[%dma_start3A_185] : memref<2x!tpu.dma_semaphore, #tpu.memory_space<semaphore_mem>> -> memref<1x!tpu.dma_semaphore, #tpu.memory_space<semaphore_mem>>
          %dma_start3A_197 = tpu.memref_squeeze %dma_start3A_196 : memref<1x!tpu.dma_semaphore, #tpu.memory_space<semaphore_mem>> -> memref<!tpu.dma_semaphore, #tpu.memory_space<semaphore_mem>>
          tpu.enqueue_indirect_dma source(%dma_start3A_195 : memref<100001x384xf32, #tpu.memory_space<hbm>>) target(%dma_start3A_189 : memref<128x384xf32, #tpu.memory_space<vmem>>) offsets(%dma_start3A_192 : memref<128xi32, #tpu.memory_space<vmem>>) semaphore(%dma_start3A_197 : memref<!tpu.dma_semaphore, #tpu.memory_space<semaphore_mem>>)
        } else {
        }
        %mul3A_123 = arith.constant 2 : i32
        %mul3A_124 = arith.muli %add3A_65, %mul3A_123 : i32
        %add3A_125 = arith.constant 1 : i32
        %add3A_126 = arith.addi %mul3A_124, %add3A_125 : i32
        %dma_wait3A_127 = arith.constant 0 : i32
        %dma_wait3A_128 = arith.constant 1 : i32
        %dma_wait3A_129 = arith.constant 1 : i32
        %dma_wait3A_130 = arith.constant 0 : i32
        %dma_wait3A_131 = arith.constant 0 : i32
        %dma_wait3A_132 = tpu.memref_slice %arg7[%dma_wait3A_128, %dma_wait3A_130, %dma_wait3A_131] : memref<2x128x384xf32, #tpu.memory_space<vmem>> -> memref<1x128x384xf32, #tpu.memory_space<vmem>>
        %dma_wait3A_133 = tpu.memref_squeeze %dma_wait3A_132 : memref<1x128x384xf32, #tpu.memory_space<vmem>> -> memref<128x384xf32, #tpu.memory_space<vmem>>
        %dma_wait3A_134 = arith.constant 0 : i32
        %dma_wait3A_135 = tpu.memref_slice %arg6[%dma_wait3A_127, %dma_wait3A_134] : memref<50x128xi32, #tpu.memory_space<vmem>> -> memref<1x128xi32, #tpu.memory_space<vmem>>
        %dma_wait3A_136 = tpu.memref_squeeze %dma_wait3A_135 : memref<1x128xi32, #tpu.memory_space<vmem>> -> memref<128xi32, #tpu.memory_space<vmem>>
        %dma_wait3A_137 = arith.constant 0 : i32
        %dma_wait3A_138 = arith.constant 0 : i32
        %dma_wait3A_139 = tpu.memref_slice %arg2[%dma_wait3A_137, %dma_wait3A_138] : memref<100001x384xf32, #tpu.memory_space<hbm>> -> memref<100001x384xf32, #tpu.memory_space<hbm>>
        %dma_wait3A_140 = tpu.memref_slice %arg8[%dma_wait3A_129] : memref<2x!tpu.dma_semaphore, #tpu.memory_space<semaphore_mem>> -> memref<1x!tpu.dma_semaphore, #tpu.memory_space<semaphore_mem>>
        %dma_wait3A_141 = tpu.memref_squeeze %dma_wait3A_140 : memref<1x!tpu.dma_semaphore, #tpu.memory_space<semaphore_mem>> -> memref<!tpu.dma_semaphore, #tpu.memory_space<semaphore_mem>>
        tpu.wait_indirect_dma semaphore(%dma_wait3A_141 : memref<!tpu.dma_semaphore, #tpu.memory_space<semaphore_mem>>) src(%dma_wait3A_139 : memref<100001x384xf32, #tpu.memory_space<hbm>>) dst(%dma_wait3A_133 : memref<128x384xf32, #tpu.memory_space<vmem>>)
        %mul3A_142 = arith.constant 128 : i32
        %mul3A_143 = arith.muli %add3A_126, %mul3A_142 : i32
        %add3A_144 = arith.addi %add3A_26, %mul3A_143 : i32
        %dma_start3A_145 = arith.constant 1 : i32
        %dma_start3A_146 = arith.constant 1 : i32
        %dma_start3A_147 = arith.constant 0 : i32
        %dma_start3A_148 = arith.constant 0 : i32
        %dma_start3A_149 = tpu.memref_slice %arg7[%dma_start3A_145, %dma_start3A_147, %dma_start3A_148] : memref<2x128x384xf32, #tpu.memory_space<vmem>> -> memref<1x128x384xf32, #tpu.memory_space<vmem>>
        %dma_start3A_150 = tpu.memref_squeeze %dma_start3A_149 : memref<1x128x384xf32, #tpu.memory_space<vmem>> -> memref<128x384xf32, #tpu.memory_space<vmem>>
        %dma_start3A_151 = arith.constant 0 : i32
        %dma_start3A_152 = tpu.memref_slice %arg4[%add3A_144, %dma_start3A_151] : memref<819200x384xf32, #tpu.memory_space<hbm>> -> memref<128x384xf32, #tpu.memory_space<hbm>>
        %dma_start3A_153 = tpu.memref_slice %arg9[%dma_start3A_146] : memref<2x!tpu.dma_semaphore, #tpu.memory_space<semaphore_mem>> -> memref<1x!tpu.dma_semaphore, #tpu.memory_space<semaphore_mem>>
        %dma_start3A_154 = tpu.memref_squeeze %dma_start3A_153 : memref<1x!tpu.dma_semaphore, #tpu.memory_space<semaphore_mem>> -> memref<!tpu.dma_semaphore, #tpu.memory_space<semaphore_mem>>
        %dma_start3A_155 = arith.constant 0 : i32
        %dma_start3A_156 = tpu.memref_slice %arg4[%add3A_144, %dma_start3A_155] : memref<819200x384xf32, #tpu.memory_space<hbm>> -> memref<128x384xf32, #tpu.memory_space<hbm>>
        %dma_start3A_157 = arith.constant 0 : i32
        %dma_start3A_158 = arith.constant 0 : i32
        %dma_start3A_159 = tpu.memref_slice %arg7[%dma_start3A_145, %dma_start3A_157, %dma_start3A_158] : memref<2x128x384xf32, #tpu.memory_space<vmem>> -> memref<1x128x384xf32, #tpu.memory_space<vmem>>
        %dma_start3A_160 = tpu.memref_squeeze %dma_start3A_159 : memref<1x128x384xf32, #tpu.memory_space<vmem>> -> memref<128x384xf32, #tpu.memory_space<vmem>>
        tpu.enqueue_dma source(%dma_start3A_160 : memref<128x384xf32, #tpu.memory_space<vmem>>) target(%dma_start3A_156 : memref<128x384xf32, #tpu.memory_space<hbm>>) target_semaphore(%dma_start3A_154 : memref<!tpu.dma_semaphore, #tpu.memory_space<semaphore_mem>>)
        %dma_wait3A_161 = arith.constant 1 : i32
        %dma_wait3A_162 = arith.constant 1 : i32
        %dma_wait3A_163 = arith.constant 0 : i32
        %dma_wait3A_164 = arith.constant 0 : i32
        %dma_wait3A_165 = tpu.memref_slice %arg7[%dma_wait3A_161, %dma_wait3A_163, %dma_wait3A_164] : memref<2x128x384xf32, #tpu.memory_space<vmem>> -> memref<1x128x384xf32, #tpu.memory_space<vmem>>
        %dma_wait3A_166 = tpu.memref_squeeze %dma_wait3A_165 : memref<1x128x384xf32, #tpu.memory_space<vmem>> -> memref<128x384xf32, #tpu.memory_space<vmem>>
        %dma_wait3A_167 = arith.constant 0 : i32
        %dma_wait3A_168 = tpu.memref_slice %arg4[%mul3A_2, %dma_wait3A_167] : memref<819200x384xf32, #tpu.memory_space<hbm>> -> memref<128x384xf32, #tpu.memory_space<hbm>>
        %dma_wait3A_169 = tpu.memref_slice %arg9[%dma_wait3A_162] : memref<2x!tpu.dma_semaphore, #tpu.memory_space<semaphore_mem>> -> memref<1x!tpu.dma_semaphore, #tpu.memory_space<semaphore_mem>>
        %dma_wait3A_170 = tpu.memref_squeeze %dma_wait3A_169 : memref<1x!tpu.dma_semaphore, #tpu.memory_space<semaphore_mem>> -> memref<!tpu.dma_semaphore, #tpu.memory_space<semaphore_mem>>
        %dma_wait3A_171 = arith.constant 0 : i32
        %dma_wait3A_172 = tpu.memref_slice %arg4[%mul3A_2, %dma_wait3A_171] : memref<819200x384xf32, #tpu.memory_space<hbm>> -> memref<128x384xf32, #tpu.memory_space<hbm>>
        %dma_wait3A_173 = arith.constant 0 : i32
        %dma_wait3A_174 = arith.constant 0 : i32
        %dma_wait3A_175 = tpu.memref_slice %arg7[%dma_wait3A_161, %dma_wait3A_173, %dma_wait3A_174] : memref<2x128x384xf32, #tpu.memory_space<vmem>> -> memref<1x128x384xf32, #tpu.memory_space<vmem>>
        %dma_wait3A_176 = tpu.memref_squeeze %dma_wait3A_175 : memref<1x128x384xf32, #tpu.memory_space<vmem>> -> memref<128x384xf32, #tpu.memory_space<vmem>>
        tpu.wait_dma2 semaphore(%dma_wait3A_170 : memref<!tpu.dma_semaphore, #tpu.memory_space<semaphore_mem>>) src(%dma_wait3A_176 : memref<128x384xf32, #tpu.memory_space<vmem>>) dst(%dma_wait3A_172 : memref<128x384xf32, #tpu.memory_space<hbm>>)
        %add3A_177 = arith.constant 2 : i32
        %add3A_178 = arith.addi %add3A_126, %add3A_177 : i32
        %lt3A_179 = arith.constant 50 : i32
        %lt3A_180 = arith.cmpi slt, %add3A_178, %lt3A_179 : i32
        %convert_element_type3A_181 = arith.extui %lt3A_180 : i1 to i32
        %cond3A_182 = arith.constant 0 : i32
        %cond3A_183 = arith.cmpi ne, %convert_element_type3A_181, %cond3A_182 : i32
        scf.if %cond3A_183 {
          %dma_start3A_184 = arith.constant 1 : i32
          %dma_start3A_185 = arith.constant 1 : i32
          %dma_start3A_186 = arith.constant 0 : i32
          %dma_start3A_187 = arith.constant 0 : i32
          %dma_start3A_188 = tpu.memref_slice %arg7[%dma_start3A_184, %dma_start3A_186, %dma_start3A_187] : memref<2x128x384xf32, #tpu.memory_space<vmem>> -> memref<1x128x384xf32, #tpu.memory_space<vmem>>
          %dma_start3A_189 = tpu.memref_squeeze %dma_start3A_188 : memref<1x128x384xf32, #tpu.memory_space<vmem>> -> memref<128x384xf32, #tpu.memory_space<vmem>>
          %dma_start3A_190 = arith.constant 0 : i32
          %dma_start3A_191 = tpu.memref_slice %arg6[%add3A_178, %dma_start3A_190] : memref<50x128xi32, #tpu.memory_space<vmem>> -> memref<1x128xi32, #tpu.memory_space<vmem>>
          %dma_start3A_192 = tpu.memref_squeeze %dma_start3A_191 : memref<1x128xi32, #tpu.memory_space<vmem>> -> memref<128xi32, #tpu.memory_space<vmem>>
          %dma_start3A_193 = arith.constant 0 : i32
          %dma_start3A_194 = arith.constant 0 : i32
          %dma_start3A_195 = tpu.memref_slice %arg2[%dma_start3A_193, %dma_start3A_194] : memref<100001x384xf32, #tpu.memory_space<hbm>> -> memref<100001x384xf32, #tpu.memory_space<hbm>>
          %dma_start3A_196 = tpu.memref_slice %arg8[%dma_start3A_185] : memref<2x!tpu.dma_semaphore, #tpu.memory_space<semaphore_mem>> -> memref<1x!tpu.dma_semaphore, #tpu.memory_space<semaphore_mem>>
          %dma_start3A_197 = tpu.memref_squeeze %dma_start3A_196 : memref<1x!tpu.dma_semaphore, #tpu.memory_space<semaphore_mem>> -> memref<!tpu.dma_semaphore, #tpu.memory_space<semaphore_mem>>
          tpu.enqueue_indirect_dma source(%dma_start3A_195 : memref<100001x384xf32, #tpu.memory_space<hbm>>) target(%dma_start3A_189 : memref<128x384xf32, #tpu.memory_space<vmem>>) offsets(%dma_start3A_192 : memref<128xi32, #tpu.memory_space<vmem>>) semaphore(%dma_start3A_197 : memref<!tpu.dma_semaphore, #tpu.memory_space<semaphore_mem>>)
        } else {
        }
      }
      %scan3A_60 = arith.constant 25 : i32
    }
    %scan3A_6 = arith.constant 4 : i32
    return
  }
}

</mosaic_0001>

<sc_bundles>
// kernel: kernel.3.cloned.1.call-start
scs
__scs_entry_jumppad:
0x0: {  	(pc) =	sbr.rel $0x88, $3  }
0x1: {  	(tag) =	ssettag $0x0;
	lr =	simm.s32 $0x1  }
0x2: {  	[smem:$0x3F9F] =	sst lr;
	_ =	strace $0xD0000000  }
0x3: {  	_ = 	snop  }
0x4: {  	_ = 	snop  }
0x5: {  	_ = 	snop  }
0x6: {  	_ = 	snop  }
0x7: {  	_ = 	snop  }
__scs_overlays_trampoline_lowered:
0x8: {  	[smem:$0x3FAE] =	sst s0  }
0x9: {  	[smem:$0x3FAF] =	sst s1  }
0xa: {  	[smem:$0x3FB0] =	sst s2  }
0xb: {  	[smem:$0x3FB1] =	sst s3  }
0xc: {  	[smem:$0x3FB2] =	sst s4  }
0xd: {  	[smem:$0x3FB3] =	sst s5  }
0xe: {  	[smem:$0x3FB4] =	sst s6  }
0xf: {  	[smem:$0x3FB5] =	sst s7  }
0x10: {  	[smem:$0x3FB6] =	sst s8  }
0x11: {  	[smem:$0x3FB7] =	sst s9;
	s0 =	simm.s32 @!p0 $0x0  }
0x12: {  	s1 =	sld [smem:$0x3F9D];
	s0 =	simm.s32 @p0 $0x1  }
0x13: {  	[smem:$0x3FB8] =	sst s0;
	s0 =	simm.s32 @!p1 $0x0  }
0x14: {  	s2 =	sld [smem:$0x3F9C];
	s0 =	simm.s32 @p1 $0x1  }
0x15: {  	[smem:$0x3FB9] =	sst s0;
	s0 =	simm.s32 @!p2 $0x0  }
0x16: {  	s3 =	sld [smem:$0x3FDB];
	s0 =	simm.s32 @p2 $0x1  }
0x17: {  	s4 =	simm.s32 $0x1BF5;
	[smem:$0x3FBB] =	sst s0  }
0x18: {  	s0 =	sld [smem:$0x3F9E];
	_ =	swait.ge [sflag:s4], $0x0  }
0x19: {  	s7 =	sld [smem:$0x3F9F]  }
0x1a: {  	s8 =	sadd.s32 $0xFFFFE003, lr  }
0x1b: {  	s9 =	sadd.s32 $0xFFFFFEF7, lr;
	s5 =	simm.s32 $0xFFFFFFFF;
	p2 =	slt.u32 s8, $0xFFFFF086  }
0x1c: {  	p1 =	slt.u32 s9, $0xF7A;
	s5 =	simm.s32 @!p2 $0x0  }
0x1d: {  	s5 =	simm.s32 @p1 $0x1;
	p0 =	seq.s32 s7, s2  }
0x1e: {  	s7 =	smul.u32 @!p0 $0xF7A, s2;
	p2 =	seq.s32 @!p0 s5, $0x0  }
0x1f: {  	s9 =	smul.u32 $0xF7A, s1;
	s8 =	simm.s32 @!p0 $0x1BF5;
	p2 =	por !p2, p0  }
0x20: {  	[sflag:s8] =	ssyncset.s32 @!p0 $0xFFFFF086;
	s6 =	sadd.s32 @!p0 s3, s7;
	s7 =	simm.s32 @!p0 $0x108  }
0x21: {  	s3 =	sadd.s32 s3, s9;
	s6 =	sadd.s32 @!p0 $0x88, s6;
	s7 =	simm.s32 @p2 $0x1082  }
0x22: {  	[simem:s7], [sflag:s8] =	dma.local @!p0 [hbm:s6], $0xF7A  }
0x23: {  	s9 =	sor.u32 $0xD0000000, s2;
	s6 =	simm.s32 $0x108;
	_ =	swait.ge @!p0 [sflag:s8], $0x0  }
0x24: {  	s3 =	sadd.s32 $0x88, s3;
	s6 =	simm.s32 @!p1 $0x1082;
	[sflag:s4] =	ssyncset.s32 $0xFFFFF086  }
0x25: {  	[simem:s6], [sflag:s4] =	dma.local [hbm:s3], $0xF7A  }
0x26: {  	[smem:$0x3F9F] =	sst s1;
	(tag) =	ssettag s2;
	_ =	strace s9  }
0x27: {  	s1 =	sld [smem:$0x3FAF]  }
0x28: {  	s2 =	sld [smem:$0x3FB0]  }
0x29: {  	s4 =	sld [smem:$0x3FB2]  }
0x2a: {  	p0 =	seq.s32 s5, $0x0;
	s5 =	sld [smem:$0x3FB3]  }
0x2b: {  	s6 =	sld [smem:$0x3FB4]  }
0x2c: {  	s7 =	sld [smem:$0x3FB5]  }
0x2d: {  	s3 =	simm.s32 $0x108;
	s8 =	sld [smem:$0x3FB6]  }
0x2e: {  	s3 =	simm.s32 @!p0 $0x1082;
	s9 =	sld [smem:$0x3FB7]  }
0x2f: {  	lr =	sadd.s32 s0, s3;
	s0 =	sld [smem:$0x3FAE]  }
0x30: {  	s3 =	sld [smem:$0x3FB1]  }
0x31: {  	[smem:$0x3FBA] =	sst s10  }
0x32: {  	s10 =	sld [smem:$0x3FB8];
	_ =	sdelay $0x3  }
0x33: {  	p0 =	seq.s32 s10, $0x1;
	s10 =	sld [smem:$0x3FBA];
	_ =	sdelay $0x3  }
0x34: {  	[smem:$0x3FBA] =	sst s10  }
0x35: {  	s10 =	sld [smem:$0x3FB9];
	_ =	sdelay $0x3  }
0x36: {  	p1 =	seq.s32 s10, $0x1;
	s10 =	sld [smem:$0x3FBA];
	_ =	sdelay $0x3  }
0x37: {  	[smem:$0x3FBA] =	sst s10  }
0x38: {  	s10 =	sld [smem:$0x3FBB]  }
0x39: {  	_ = 	snop;
	(pc) =	sbr.ind lr, $3  }
0x3a: {  	_ = 	snop  }
0x3b: {  	_ = 	snop  }
0x3c: {  	p2 =	seq.s32 s10, $0x1;
	s10 =	sld [smem:$0x3FBA]  }
0x3d: {  	_ =	shalt  }
0x3e: {  	_ =	shalt  }
0x3f: {  	_ =	shalt  }
0x40: {  	_ =	shalt  }
0x41: {  	_ =	shalt  }
0x42: {  	_ =	shalt  }
0x43: {  	_ =	shalt  }
0x44: {  	_ =	shalt  }
0x45: {  	_ =	shalt  }
0x46: {  	_ =	shalt  }
0x47: {  	_ =	shalt  }
0x48: {  	_ =	shalt  }
0x49: {  	_ =	shalt  }
0x4a: {  	_ =	shalt  }
0x4b: {  	_ =	shalt  }
0x4c: {  	_ =	shalt  }
0x4d: {  	_ =	shalt  }
0x4e: {  	_ =	shalt  }
0x4f: {  	_ =	shalt  }
0x50: {  	_ =	shalt  }
0x51: {  	_ =	shalt  }
0x52: {  	_ =	shalt  }
0x53: {  	_ =	shalt  }
0x54: {  	_ =	shalt  }
0x55: {  	_ =	shalt  }
0x56: {  	_ =	shalt  }
0x57: {  	_ =	shalt  }
0x58: {  	_ =	shalt  }
0x59: {  	_ =	shalt  }
0x5a: {  	_ =	shalt  }
0x5b: {  	_ =	shalt  }
0x5c: {  	_ =	shalt  }
0x5d: {  	_ =	shalt  }
0x5e: {  	_ =	shalt  }
0x5f: {  	_ =	shalt  }
0x60: {  	_ =	shalt  }
0x61: {  	_ =	shalt  }
0x62: {  	_ =	shalt  }
0x63: {  	_ =	shalt  }
0x64: {  	_ =	shalt  }
0x65: {  	_ =	shalt  }
0x66: {  	_ =	shalt  }
0x67: {  	_ =	shalt  }
0x68: {  	_ =	shalt  }
0x69: {  	_ =	shalt  }
0x6a: {  	_ =	shalt  }
0x6b: {  	_ =	shalt  }
0x6c: {  	_ =	shalt  }
0x6d: {  	_ =	shalt  }
0x6e: {  	_ =	shalt  }
0x6f: {  	_ =	shalt  }
0x70: {  	_ =	shalt  }
0x71: {  	_ =	shalt  }
0x72: {  	_ =	shalt  }
0x73: {  	_ =	shalt  }
0x74: {  	_ =	shalt  }
0x75: {  	_ =	shalt  }
0x76: {  	_ =	shalt  }
0x77: {  	_ =	shalt  }
0x78: {  	_ =	shalt  }
0x79: {  	_ =	shalt  }
0x7a: {  	_ =	shalt  }
0x7b: {  	_ =	shalt  }
0x7c: {  	_ =	shalt  }
0x7d: {  	_ =	shalt  }
0x7e: {  	_ =	shalt  }
0x7f: {  	_ =	shalt  }
0x80: {  	_ =	shalt  }
0x81: {  	_ =	shalt  }
0x82: {  	_ =	shalt  }
0x83: {  	_ =	shalt  }
0x84: {  	_ =	shalt  }
0x85: {  	_ =	shalt  }
0x86: {  	_ =	shalt  }
0x87: {  	_ =	shalt  }
.Lfunc_end0:
.L_simem_size_0:
called_computation.1_lowered:
.L_overlay_start_0:
0x88: {  	s2 =	sld [smem:$0x3FD9]  }
0x89: {  	s3 =	sld [smem:$0x3FFE];
	_ =	sdelay $0x1  }
0x8a: {  	s1 =	srdreg.scid  }
0x8b: {  	s0 =	sand.u32 $0x1, s1  }
0x8c: {  	s16 =	sshll.u32 s0, $0xA;
	s2 =	sadd.s32 s3, s2  }
0x8d: {  	s2 =	sadd.s32 s2, s16  }
0x8e: {  	[smem:$0x3FC6] =	sst s2  }
0x8f: {  	_ = 	snop  }
0x90: {  	(tm) =	ssettm $0x1  }
0x91: {  	s17 =	sld [smem:$0x3FFB];
	_ =	sdelay $0x3  }
0x92: {  	_ =	strace s17  }
0x93: {  	s2 =	sld [smem:$0x3FFC];
	_ =	sdelay $0x3  }
0x94: {  	_ =	strace s2  }
0x95: {  	s2 =	sld [smem:$0x3FFD];
	_ =	sdelay $0x3  }
0x96: {  	_ =	strace s2  }
0x97: {  	_ =	strace $0x8FFFFFFF  }
0x98: {  	s18 =	sld [smem:$0x3FDB];
	_ =	sdelay $0x1  }
0x99: {  	s19 =	simm.s32 $_scs_section_size  }
0x9a: {  	s4 =	simm.s32 $_size__tile_overlayer_lowered;
	s5 =	simm.s32 $_tile_overlayer_lowered  }
0x9b: {  	s22 =	simm.s32 $0x1BFF;
	s21 =	sshll.u32 s5, $0x1;
	s2 =	sadd.s32 s19, s18  }
0x9c: {  	s6 =	simm.s32 $0x0;
	s20 =	sshll.u32 s4, $0x1;
	s4 =	sadd.s32 s21, s2  }
0x9d: {  	[timem:s6], [sflag:s22] =	dma.local [hbm:s4], s20  }
0x9e: {  	_ =	swait.ge [sflag:s22], s20  }
0x9f: {  	s3 =	ssub.s32 $0x0, s20;
	[sflag:s22] =	ssyncset.done $0x0  }
0xa0: {  	[sflag:s22] =	ssyncadd.s32 s3;
	_ =	sdelay $0x1  }
0xa1: {  	s23 =	simm.s32 $0x1B8B  }
0xa2: {  	_ =	swait.ge [sflag:s23], $0x1  }
0xa3: {  	[sflag:s23] =	ssyncset.done $0x0  }
0xa4: {  	s25 =	simm.s32 $0x1B8E;
	s24 =	sld [smem:$0x3FFE];
	[sflag:s23] =	ssyncadd.s32 $0xFFFFFFFF  }
0xa5: {  	s26 =	simm.s32 $execute0_lowered;
	[smem:$0x3FD2] =	sst s25  }
0xa6: {  	s4 =	sshll.u32 s26, $0x1;
	_ =	strace $0x80000046;
	[dreg:$0x1] =	wrdreg $0xFFFFFFFF  }
0xa7: {  	s28 =	simm.s32 $_size_execute0_lowered;
	s2 =	sadd.s32 s2, s4;
	[dreg:$0x0] =	wrdreg $0x0  }
0xa8: {  	s4 =	sshll.u32 s28, $0x1;
	[dreg:$0x2] =	wrdreg s2  }
0xa9: {  	[dreg:$0x3] =	wrdreg s4  }
0xaa: {  	[dreg:$0x4] =	wrdreg $0xC0  }
0xab: {  	_ =	task [dreg:s6], $0x5FFFF  }
0xac: {  	[dreg:$0x1] =	wrdreg $0xFFFFFFFF  }
0xad: {  	[dreg:$0x0] =	wrdreg $0x60  }
0xae: {  	[dreg:$0x2] =	wrdreg s24  }
0xaf: {  	[dreg:$0x3] =	wrdreg $0x9  }
0xb0: {  	_ =	task.clear_ibuf [dreg:s6], $0x4FFFF;
	_ =	strace $0x90000046  }
0xb1: {  	s29 =	simm.s32 $0x9;
	_ =	strace $0x80000048  }
0xb2: {  	_ =	swait.ge [sflag:s29], $0x1  }
0xb3: {  	[sflag:s29] =	ssyncadd.s32 $0xFFFFFFFF  }
0xb4: {  	_ =	strace $0x90000048  }
0xb5: {  	_ =	sfence  }
0xb6: {  	s30 =	sld [smem:$0x0];
	_ =	sdelay $0x2  }
0xb7: {  	s31 =	sshll.u32 s1, $0xD;
	s1 =	sshrl.u32 s1, $0x2  }
0xb8: {  	s3 =	sand.u32 $0x4000, s31;
	s1 =	sadd.s32 s1, s30  }
0xb9: {  	s0 =	sor.u32 s3, s0;
	s1 =	sshll.u32 s1, $0x11  }
0xba: {  	s0 =	sor.u32 s1, s0  }
0xbb: {  	s0 =	sadd.s32 $0x8F2B, s0  }
0xbc: {  	[sflag:s0] =	ssyncadd.remote.s32 $0x1  }
0xbd: {  	_ =	sfence.sel $0xFFFF  }
0xbe: {  	[dreg:$0x0] =	wrdreg $0xFFFFFFFF;
	(pc) =	sbr.abs _section_cstart, $3  }
0xbf: {  	[dreg:$0x1] =	wrdreg $0xFFFFFFFF  }
0xc0: {  	_ =	task.clear_ibuf [dreg:s6], $0x2FFFF;
	_ =	strace $0x9FFFFFFF  }
0xc1: {  	(tm) =	ssettm $0x7FFFFFFF  }
tec
execute0_lowered:
.L_overlay_start_1:
0x0: {  	(tag) =	ssettag $0x1  }
0x1: {  	s0 =	rddreg [dreg:$0x0]  }
0x2: {  	s1 =	srdreg.scid;
	s5 =	stileid.u32  }
0x3: {  	s2 =	simm.s32 $0x0;
	s10 =	simm.s32 $0x3C00;
	s15 =	simm.s32 $0xFC00  }
0x4: {  	s9 =	simm.s32 $0x18000;
	s11 =	simm.s32 $0x18800;
	s12 =	simm.s32 $0x18C00  }
0x5: {  	s13 =	simm.s32 $0x19400;
	s14 =	simm.s32 $0x19800;
	s16 =	simm.s32 $0x1A000  }
0x6: {  	s17 =	simm.s32 $0x1A400;
	s18 =	simm.s32 $0x1AC00;
	s19 =	simm.s32 $0x1B000  }
0x7: {  	s20 =	simm.s32 $0x1B800;
	s21 =	simm.s32 $0x1;
	s22 =	simm.s32 $0x3  }
0x8: {  	s23 =	simm.s32 $0x2;
	s24 =	simm.s32 $0x4;
	s26 =	simm.s32 $0x0  }
0x9: {  	s1 =	sand.u32 $0x1, s1;
	s3 =	smul.u32 $0xC800, s5;
	[smem:$0x7FF] =	sst s2  }
0xa: {  	s5 =	sshll.u32 s5, $0xD;
	s8 =	sadd.s32 $0x4B4800, s0;
	s4 =	smul.u32 $0x6400, s1  }
0xb: {  	_ =	strace $0x80000047;
	s6 =	sshll.u32 s1, $0xC;
	s1 =	ssub.s32 $0x2, s1  }
0xc: {  	s5 =	sor.u32 s6, s5;
	s7 =	sshrl.u32 s1, $0x1;
	s4 =	sadd.s32 s4, s3  }
0xd: {  	s3 =	sadd.s32 $0x20800, s0;
	s5 =	sadd.s32 s5, s0;
	s1 =	ssub.s32 s1, s7  }
0xe: {  	s7 =	simm.s32 $0x17000;
	s28 =	sor.u32 $0x80, s4;
	s4 =	sshrl.u32 s4, $0x3  }
0xf: {  	s5 =	sadd.s32 $0x800, s5;
	s29 =	smax.u32 s1, $0x1;
	s4 =	smul.u32 $0x180, s4  }
.Ltmp0:
0x10: {  	s1 =	simm.s32 $0x16400;
	s6 =	sshrl.u32 s28, $0x3;
	(pc) =	sbr.rel .LBB2_1-.Ltmp0, $4  }
0x11: {  	[dreg:$0x2] =	wrdreg s5;
	s5 =	sadd.s32 $0x20900, s0;
	s6 =	smul.u32 $0x180, s6  }
0x12: {  	v0 =	vlaneseq.u32;
	[dreg:$0x3] =	wrdreg s29;
	s0 =	simm.s32 $0x15C00;
	s31 =	sadd.s32 s4, s8  }
0x13: {  	vm0 =	vmmov $0xffff;
	vm1 =	vmmov $0xff;
	v2 =	vshrl.u32 v0, $0x3;
	s4 =	simm.s32 $0x17C00;
	s30 =	sadd.s32 s6, s8;
	[dreg:$0x5] =	wrdreg s31  }
0x14: {  	v1 =	vand.u32 $0x7, v0;
	v3 =	vor.u32 $0x8, v0;
	v2 =	vmul.u32 $0x8, v2;
	s6 =	simm.s32 $0x16800;
	s8 =	simm.s32 $0x17400;
	[dreg:$0x4] =	wrdreg s30  }
.LBB2_10:
0x15: {  	s26 =	rddreg [dreg:$0x6]  }
0x16: {  	s25 =	rddreg [dreg:$0x3];
	s26 =	sadd.s32 $0x1, s26  }
0x17: {  	p0 =	sne.s32 s26, s25  }
.Ltmp1:
0x18: {  	_ = 	snop;
	(pc) =	sbr.rel @!p0 .LBB2_11-.Ltmp1, $1  }
0x19: {  	_ =	sdelay $0x3  }
.LBB2_1:
.Ltmp2:
0x1a: {  	(pc) =	sbr.rel .LBB2_2-.Ltmp2, $4  }
0x1b: {  	_ = 	snop  }
0x1c: {  	[dreg:$0x6] =	wrdreg s26  }
0x1d: {  	s25 =	rddreg [dreg:$0x5]  }
0x1e: {  	s26 =	rddreg [dreg:$0x4];
	s29 =	simm.s32 $0x0  }
.LBB2_9:
0x1f: {  	s29 =	rddreg [dreg:$0x7]  }
0x20: {  	s29 =	sadd.s32 $0x1, s29  }
0x21: {  	p0 =	sne.s32 s29, $0x4  }
.Ltmp3:
0x22: {  	_ = 	snop;
	(pc) =	sbr.rel @!p0 .LBB2_10-.Ltmp3, $2  }
0x23: {  	_ =	sdelay $0x2  }
0x24: {  	s26 =	sadd.s32 $0x4B000, s26;
	s25 =	sadd.s32 $0x4B000, s25  }
.LBB2_2:
0x25: {  	s28 =	simm.s32 $0x0  }
0x26: {  	v4 =	vor.u32 s28, v0  }
0x27: {  	v5 =	vmul.u32 $0x147B, v4;
	_ =	sdelay $0x1  }
0x28: {  	v6 =	vshrl.u32 v5, $0x14  }
0x29: {  	v6 =	vmul.u32 $0xFFFFFF38, v6  }
0x2a: {  	s28 =	simm.s32 $0x10  }
0x2b: {  	v4 =	vadd.s32 v4, v6;
	v6 =	vor.u32 s28, v0  }
0x2c: {  	v7 =	vshrl.u32 v5, $0xC;
	v8 =	vshll.u32 v4, $0x3;
	v9 =	vmul.u32 $0x147B, v6  }
0x2d: {  	[dreg:$0x7] =	wrdreg s29;
	v5 =	vshrl.u32 v5, $0xD;
	v7 =	vand.u32 $0x7F800, v7;
	v8 =	vand.u32 $0xFFFFFC00, v8  }
0x2e: {  	v5 =	vand.u32 $0x380, v5;
	s28 =	sshll.u32 s29, $0xA;
	s29 =	rddreg [dreg:$0x2];
	v7 =	vadd.s32 v7, v8;
	v8 =	vshrl.u32 v9, $0x14  }
0x2f: {  	v4 =	vand.u32 $0x7F, v4;
	s28 =	sadd.s32 s28, s29;
	s29 =	simm.s32 $0x20;
	v5 =	vor.u32 v5, v7;
	v7 =	vmul.u32 $0xFFFFFF38, v8  }
0x30: {  	[tilespmem:s2], [sflag:$0x5] =	stream.linear.gather [hbm4b:s28+s2], $0x2000, $0x38;
	v4 =	vor.u32 v4, v5;
	[tilespmem:$0x1BC00] =	vst v63  }
0x31: {  	s28 =	simm.s32 $0x5;
	v5 =	vadd.s32 v6, v7;
	v6 =	vor.u32 s29, v0  }
0x32: {  	_ =	swait.ge [sflag:s28], $0x2000;
	v7 =	vshrl.u32 v9, $0xC;
	v8 =	vshll.u32 v5, $0x3;
	v10 =	vmul.u32 $0x147B, v6  }
0x33: {  	[sflag:s28] =	ssyncset.done $0x0;
	v9 =	vshrl.u32 v9, $0xD;
	v7 =	vand.u32 $0x7F800, v7;
	v8 =	vand.u32 $0xFFFFFC00, v8  }
0x34: {  	[sflag:s28] =	ssyncadd.s32 $0xFFFFE000;
	v7 =	vadd.s32 v7, v8;
	v8 =	vand.u32 $0x380, v9;
	v9 =	vshrl.u32 v10, $0x14  }
0x35: {  	v5 =	vand.u32 $0x7F, v5;
	v4 =	vld.idx.msk [tilespmem:v4+s2+$0x0], $0xffff;
	v7 =	vor.u32 v8, v7;
	v8 =	vmul.u32 $0xFFFFFF38, v9  }
0x36: {  	s28 =	simm.s32 $0x30;
	v5 =	vor.u32 v5, v7  }
0x37: {  	v7 =	vor.u32 s28, v0;
	v6 =	vadd.s32 v6, v8  }
0x38: {  	v8 =	vshrl.u32 v10, $0xC;
	v11 =	vmul.u32 $0x147B, v7;
	v9 =	vshll.u32 v6, $0x3  }
0x39: {  	s28 =	simm.s32 $0x2040;
	v10 =	vshrl.u32 v10, $0xD;
	v8 =	vand.u32 $0x7F800, v8;
	v9 =	vand.u32 $0xFFFFFC00, v9  }
0x3a: {  	[tilespmem:s28+$0xFFFFFFC0] =	vst v4;
	v4 =	vadd.s32 v8, v9;
	v8 =	vand.u32 $0x380, v10;
	v9 =	vshrl.u32 v11, $0x14  }
0x3b: {  	v6 =	vand.u32 $0x7F, v6;
	v5 =	vld.idx.msk [tilespmem:v5+s2+$0x0], $0xffff;
	v4 =	vor.u32 v8, v4;
	v8 =	vmul.u32 $0xFFFFFF38, v9  }
0x3c: {  	s29 =	simm.s32 $0x40;
	v4 =	vor.u32 v6, v4  }
0x3d: {  	v6 =	vadd.s32 v7, v8;
	v7 =	vor.u32 s29, v0  }
0x3e: {  	v8 =	vshrl.u32 v11, $0xC;
	v9 =	vshll.u32 v6, $0x3;
	v10 =	vmul.u32 $0x147B, v7  }
0x3f: {  	v11 =	vshrl.u32 v11, $0xD;
	v8 =	vand.u32 $0x7F800, v8;
	v9 =	vand.u32 $0xFFFFFC00, v9  }
0x40: {  	[tilespmem:s28+$0xFFFFFFD0] =	vst v5;
	v5 =	vadd.s32 v8, v9;
	v8 =	vand.u32 $0x380, v11;
	v9 =	vshrl.u32 v10, $0x14  }
0x41: {  	v6 =	vand.u32 $0x7F, v6;
	v4 =	vld.idx.msk [tilespmem:v4+s2+$0x0], $0xffff;
	v5 =	vor.u32 v8, v5;
	v8 =	vmul.u32 $0xFFFFFF38, v9  }
0x42: {  	s29 =	simm.s32 $0x50;
	v5 =	vor.u32 v6, v5  }
0x43: {  	v6 =	vor.u32 s29, v0;
	v7 =	vadd.s32 v7, v8  }
0x44: {  	v8 =	vshrl.u32 v10, $0xC;
	v9 =	vmul.u32 $0x147B, v6;
	v11 =	vshll.u32 v7, $0x3  }
0x45: {  	v10 =	vshrl.u32 v10, $0xD;
	v8 =	vand.u32 $0x7F800, v8;
	v11 =	vand.u32 $0xFFFFFC00, v11  }
0x46: {  	v12 =	vshrl.u32 v9, $0x14;
	[tilespmem:s28+$0xFFFFFFE0] =	vst v4;
	v4 =	vadd.s32 v8, v11;
	v8 =	vand.u32 $0x380, v10  }
0x47: {  	v7 =	vand.u32 $0x7F, v7;
	v10 =	vmul.u32 $0xFFFFFF38, v12;
	v5 =	vld.idx.msk [tilespmem:v5+s2+$0x0], $0xffff;
	v4 =	vor.u32 v8, v4  }
0x48: {  	s29 =	simm.s32 $0x60;
	v4 =	vor.u32 v7, v4  }
0x49: {  	v6 =	vadd.s32 v6, v10;
	v7 =	vor.u32 s29, v0  }
0x4a: {  	v8 =	vshrl.u32 v9, $0xC;
	v10 =	vshll.u32 v6, $0x3;
	v11 =	vmul.u32 $0x147B, v7  }
0x4b: {  	v9 =	vshrl.u32 v9, $0xD;
	v8 =	vand.u32 $0x7F800, v8;
	v10 =	vand.u32 $0xFFFFFC00, v10  }
0x4c: {  	v9 =	vand.u32 $0x380, v9;
	v8 =	vadd.s32 v8, v10;
	v10 =	vshrl.u32 v11, $0x14;
	[tilespmem:s28+$0xFFFFFFF0] =	vst v5  }
0x4d: {  	v5 =	vand.u32 $0x7F, v6;
	v6 =	vor.u32 v9, v8;
	v8 =	vmul.u32 $0xFFFFFF38, v10;
	v9 =	vld.idx.msk [tilespmem:v4+s2+$0x0], $0xffff  }
0x4e: {  	s29 =	simm.s32 $0x70;
	v5 =	vor.u32 v5, v6  }
0x4f: {  	v10 =	vor.u32 s29, v0;
	v6 =	vadd.s32 v7, v8  }
0x50: {  	v4 =	vmul.u32 $0x147B, v10;
	v7 =	vshrl.u32 v11, $0xC;
	v8 =	vshll.u32 v6, $0x3  }
0x51: {  	v11 =	vshrl.u32 v11, $0xD;
	v7 =	vand.u32 $0x7F800, v7;
	v8 =	vand.u32 $0xFFFFFC00, v8  }
0x52: {  	v7 =	vadd.s32 v7, v8;
	v8 =	vand.u32 $0x380, v11;
	[tilespmem:s28+$0x0] =	vst v9  }
0x53: {  	v63 =	vshrl.u32 v4, $0x14;
	v9 =	vand.u32 $0x7F, v6;
	v7 =	vor.u32 v8, v7;
	v6 =	vld.idx.msk [tilespmem:v5+s2+$0x0], $0xffff  }
0x54: {  	v11 =	vmul.u32 $0xFFFFFF38, v63;
	v7 =	vor.u32 v9, v7  }
0x55: {  	s30 =	simm.s32 $0x80  }
0x56: {  	s29 =	simm.s32 $0xF0;
	v5 =	vor.u32 s30, v0;
	s30 =	simm.s32 $0x170;
	v8 =	vadd.s32 v10, v11  }
.LBB2_3:
0x57: {  	p0 =	sne.s32 s30, $0x18F0;
	v9 =	vmul.u32 $0x147B, v5;
	v10 =	vshrl.u32 v4, $0xC;
	v11 =	vshll.u32 v8, $0x3  }
0x58: {  	v4 =	vshrl.u32 v4, $0xD;
	[tilespmem:s28+$0x10] =	vst v6;
	v6 =	vand.u32 $0x7F800, v10;
	v10 =	vand.u32 $0xFFFFFC00, v11  }
0x59: {  	v4 =	vand.u32 $0x380, v4;
	v7 =	vld.idx.msk [tilespmem:v7+s2+$0x0], $0xffff;
	v6 =	vadd.s32 v6, v10  }
0x5a: {  	v8 =	vand.u32 $0x7F, v8;
	v10 =	vshrl.u32 v9, $0x14;
	v4 =	vor.u32 v4, v6  }
0x5b: {  	v6 =	vmul.u32 $0xFFFFFF38, v10;
	v4 =	vor.u32 v8, v4  }
0x5c: {  	s31 =	sadd.s32 $0xFFFFFFA0, s29  }
0x5d: {  	v5 =	vadd.s32 v5, v6;
	v6 =	vor.u32 s31, v0  }
0x5e: {  	v8 =	vshrl.u32 v9, $0xC;
	v10 =	vshll.u32 v5, $0x3;
	v11 =	vmul.u32 $0x147B, v6  }
0x5f: {  	v9 =	vshrl.u32 v9, $0xD;
	v8 =	vand.u32 $0x7F800, v8;
	v10 =	vand.u32 $0xFFFFFC00, v10;
	[tilespmem:s28+$0x20] =	vst v7  }
0x60: {  	v7 =	vadd.s32 v8, v10;
	v8 =	vand.u32 $0x380, v9;
	v4 =	vld.idx.msk [tilespmem:v4+s2+$0x0], $0xffff  }
0x61: {  	v5 =	vand.u32 $0x7F, v5;
	v7 =	vor.u32 v8, v7;
	v8 =	vshrl.u32 v11, $0x14  }
0x62: {  	v5 =	vor.u32 v5, v7;
	v7 =	vmul.u32 $0xFFFFFF38, v8  }
0x63: {  	s31 =	sadd.s32 $0xFFFFFFB0, s29  }
0x64: {  	v6 =	vadd.s32 v6, v7;
	v7 =	vor.u32 s31, v0  }
0x65: {  	v8 =	vshrl.u32 v11, $0xC;
	v9 =	vshll.u32 v6, $0x3;
	v10 =	vmul.u32 $0x147B, v7  }
0x66: {  	v11 =	vshrl.u32 v11, $0xD;
	v8 =	vand.u32 $0x7F800, v8;
	v9 =	vand.u32 $0xFFFFFC00, v9;
	[tilespmem:s28+$0x30] =	vst v4  }
0x67: {  	v4 =	vld.idx.msk [tilespmem:v5+s2+$0x0], $0xffff;
	v5 =	vadd.s32 v8, v9;
	v8 =	vand.u32 $0x380, v11  }
0x68: {  	v6 =	vand.u32 $0x7F, v6;
	v5 =	vor.u32 v8, v5;
	v8 =	vshrl.u32 v10, $0x14  }
0x69: {  	v5 =	vor.u32 v6, v5;
	v6 =	vmul.u32 $0xFFFFFF38, v8  }
0x6a: {  	s31 =	sadd.s32 $0xFFFFFFC0, s29  }
0x6b: {  	v6 =	vadd.s32 v7, v6;
	v7 =	vor.u32 s31, v0  }
0x6c: {  	s28 =	sadd.s32 $0x80, s28;
	v8 =	vshrl.u32 v10, $0xC;
	v9 =	vshll.u32 v6, $0x3;
	v11 =	vmul.u32 $0x147B, v7  }
0x6d: {  	[tilespmem:s28+$0xFFFFFFC0] =	vst v4;
	v4 =	vand.u32 $0x7F800, v8;
	v8 =	vand.u32 $0xFFFFFC00, v9;
	v9 =	vshrl.u32 v10, $0xD  }
0x6e: {  	v5 =	vld.idx.msk [tilespmem:v5+s2+$0x0], $0xffff;
	v4 =	vadd.s32 v4, v8;
	v8 =	vand.u32 $0x380, v9  }
0x6f: {  	v6 =	vand.u32 $0x7F, v6;
	v4 =	vor.u32 v8, v4;
	v8 =	vshrl.u32 v11, $0x14  }
0x70: {  	v4 =	vor.u32 v6, v4;
	v6 =	vmul.u32 $0xFFFFFF38, v8  }
0x71: {  	s31 =	sadd.s32 $0xFFFFFFD0, s29  }
0x72: {  	v6 =	vadd.s32 v7, v6;
	v7 =	vor.u32 s31, v0  }
0x73: {  	v8 =	vshrl.u32 v11, $0xC;
	v9 =	vshll.u32 v6, $0x3;
	v10 =	vmul.u32 $0x147B, v7  }
0x74: {  	[tilespmem:s28+$0xFFFFFFD0] =	vst v5;
	v5 =	vand.u32 $0x7F800, v8;
	v8 =	vand.u32 $0xFFFFFC00, v9;
	v9 =	vshrl.u32 v11, $0xD  }
0x75: {  	v4 =	vld.idx.msk [tilespmem:v4+s2+$0x0], $0xffff;
	v5 =	vadd.s32 v5, v8;
	v8 =	vand.u32 $0x380, v9  }
0x76: {  	v6 =	vand.u32 $0x7F, v6;
	v5 =	vor.u32 v8, v5;
	v8 =	vshrl.u32 v10, $0x14  }
0x77: {  	v5 =	vor.u32 v6, v5;
	v6 =	vmul.u32 $0xFFFFFF38, v8  }
0x78: {  	s31 =	sadd.s32 $0xFFFFFFE0, s29  }
0x79: {  	v6 =	vadd.s32 v7, v6;
	v7 =	vor.u32 s31, v0  }
0x7a: {  	v8 =	vshrl.u32 v10, $0xC;
	v9 =	vshll.u32 v6, $0x3;
	v11 =	vmul.u32 $0x147B, v7  }
0x7b: {  	[tilespmem:s28+$0xFFFFFFE0] =	vst v4;
	v4 =	vand.u32 $0x7F800, v8;
	v8 =	vand.u32 $0xFFFFFC00, v9;
	v9 =	vshrl.u32 v10, $0xD  }
0x7c: {  	v5 =	vld.idx.msk [tilespmem:v5+s2+$0x0], $0xffff;
	v4 =	vadd.s32 v4, v8;
	v8 =	vand.u32 $0x380, v9  }
0x7d: {  	v6 =	vand.u32 $0x7F, v6;
	v4 =	vor.u32 v8, v4;
	v8 =	vshrl.u32 v11, $0x14  }
0x7e: {  	v4 =	vor.u32 v6, v4;
	v6 =	vmul.u32 $0xFFFFFF38, v8  }
0x7f: {  	s31 =	sadd.s32 $0xFFFFFFF0, s29  }
0x80: {  	v6 =	vadd.s32 v7, v6;
	v7 =	vor.u32 s31, v0  }
0x81: {  	v8 =	vshrl.u32 v11, $0xC;
	v9 =	vshll.u32 v6, $0x3;
	v10 =	vmul.u32 $0x147B, v7  }
0x82: {  	[tilespmem:s28+$0xFFFFFFF0] =	vst v5;
	v5 =	vand.u32 $0x7F800, v8;
	v8 =	vand.u32 $0xFFFFFC00, v9;
	v9 =	vshrl.u32 v11, $0xD  }
0x83: {  	v11 =	vld.idx.msk [tilespmem:v4+s2+$0x0], $0xffff;
	v4 =	vadd.s32 v5, v8;
	v5 =	vand.u32 $0x380, v9  }
0x84: {  	v6 =	vand.u32 $0x7F, v6;
	v4 =	vor.u32 v5, v4;
	v5 =	vshrl.u32 v10, $0x14  }
0x85: {  	v6 =	vor.u32 v6, v4;
	v4 =	vmul.u32 $0xFFFFFF38, v5;
	_ =	sdelay $0x1  }
0x86: {  	v8 =	vor.u32 s29, v0;
	s29 =	smov.u32 s30;
	v5 =	vadd.s32 v7, v4  }
0x87: {  	v7 =	vshrl.u32 v10, $0xC;
	v4 =	vmul.u32 $0x147B, v8;
	v9 =	vshll.u32 v5, $0x3  }
0x88: {  	v10 =	vshrl.u32 v10, $0xD;
	v7 =	vand.u32 $0x7F800, v7;
	[tilespmem:s28+$0x0] =	vst v11;
	v9 =	vand.u32 $0xFFFFFC00, v9  }
.Ltmp4:
0x89: {  	v6 =	vld.idx.msk [tilespmem:v6+s2+$0x0], $0xffff;
	v7 =	vadd.s32 v7, v9;
	v9 =	vand.u32 $0x380, v10;
	(pc) =	sbr.rel @p0 .LBB2_3-.Ltmp4, $4  }
0x8a: {  	v5 =	vand.u32 $0x7F, v5;
	v7 =	vor.u32 v9, v7;
	v9 =	vshrl.u32 v4, $0x14  }
0x8b: {  	v7 =	vor.u32 v5, v7;
	v9 =	vmul.u32 $0xFFFFFF38, v9  }
0x8c: {  	s31 =	sadd.s32 $0xFFFFFF90, s30  }
0x8d: {  	s30 =	sadd.s32 $0x80, s30;
	v5 =	vor.u32 s31, v0;
	v8 =	vadd.s32 v8, v9  }
0x8e: {  	_ = 	snop  }
0x8f: {  	v9 =	vmul.u32 $0x147B, v5;
	v10 =	vshrl.u32 v4, $0xC;
	v11 =	vshll.u32 v8, $0x3  }
0x90: {  	v4 =	vshrl.u32 v4, $0xD;
	v10 =	vand.u32 $0x7F800, v10;
	v11 =	vand.u32 $0xFFFFFC00, v11  }
0x91: {  	[tilespmem:s28+$0x10] =	vst v6;
	v4 =	vand.u32 $0x380, v4;
	v55 =	vadd.s32 v10, v11;
	v56 =	vshrl.u32 v9, $0x14  }
0x92: {  	v57 =	vand.u32 $0x7F, v8;
	v7 =	vld.idx.msk [tilespmem:v7+s2+$0x0], $0xffff;
	v4 =	vor.u32 v4, v55;
	v58 =	vmul.u32 $0xFFFFFF38, v56  }
0x93: {  	s30 =	sadd.s32 $0xFFFFFFA0, s29;
	v4 =	vor.u32 v57, v4  }
0x94: {  	v59 =	vor.u32 s30, v0;
	v5 =	vadd.s32 v5, v58  }
0x95: {  	v60 =	vshrl.u32 v9, $0xC;
	v62 =	vmul.u32 $0x147B, v59;
	v61 =	vshll.u32 v5, $0x3  }
0x96: {  	v9 =	vshrl.u32 v9, $0xD;
	v8 =	vand.u32 $0x7F800, v60;
	v10 =	vand.u32 $0xFFFFFC00, v61  }
0x97: {  	v12 =	vand.u32 $0x380, v9;
	v13 =	vshrl.u32 v62, $0x14;
	[tilespmem:s28+$0x20] =	vst v7;
	v63 =	vadd.s32 v8, v10  }
0x98: {  	v14 =	vmul.u32 $0xFFFFFF38, v13;
	v5 =	vand.u32 $0x7F, v5;
	v4 =	vld.idx.msk [tilespmem:v4+s2+$0x0], $0xffff;
	v7 =	vor.u32 v12, v63  }
0x99: {  	s30 =	sadd.s32 $0xFFFFFFB0, s29;
	v5 =	vor.u32 v5, v7  }
0x9a: {  	v15 =	vor.u32 s30, v0;
	v6 =	vadd.s32 v59, v14  }
0x9b: {  	v18 =	vmul.u32 $0x147B, v15;
	v16 =	vshrl.u32 v62, $0xC;
	v17 =	vshll.u32 v6, $0x3  }
0x9c: {  	v11 =	vshrl.u32 v62, $0xD;
	v8 =	vand.u32 $0x7F800, v16;
	v9 =	vand.u32 $0xFFFFFC00, v17  }
0x9d: {  	v19 =	vand.u32 $0x380, v11;
	v20 =	vshrl.u32 v18, $0x14;
	[tilespmem:s28+$0x30] =	vst v4;
	v4 =	vadd.s32 v8, v9  }
0x9e: {  	v21 =	vmul.u32 $0xFFFFFF38, v20;
	v6 =	vand.u32 $0x7F, v6;
	v5 =	vld.idx.msk [tilespmem:v5+s2+$0x0], $0xffff;
	v4 =	vor.u32 v19, v4  }
0x9f: {  	s30 =	sadd.s32 $0xFFFFFFC0, s29;
	v4 =	vor.u32 v6, v4  }
0xa0: {  	v23 =	vor.u32 s30, v0;
	v22 =	vadd.s32 v15, v21  }
0xa1: {  	v26 =	vmul.u32 $0x147B, v23;
	v24 =	vshrl.u32 v18, $0xC;
	v25 =	vshll.u32 v22, $0x3  }
0xa2: {  	v10 =	vshrl.u32 v18, $0xD;
	s28 =	sadd.s32 $0x80, s28;
	v8 =	vand.u32 $0x7F800, v24;
	v9 =	vand.u32 $0xFFFFFC00, v25  }
0xa3: {  	v28 =	vshrl.u32 v26, $0x14;
	v27 =	vand.u32 $0x380, v10;
	[tilespmem:s28+$0xFFFFFFC0] =	vst v5;
	v5 =	vadd.s32 v8, v9  }
0xa4: {  	v29 =	vmul.u32 $0xFFFFFF38, v28;
	v6 =	vand.u32 $0x7F, v22;
	v4 =	vld.idx.msk [tilespmem:v4+s2+$0x0], $0xffff;
	v5 =	vor.u32 v27, v5  }
0xa5: {  	s30 =	sadd.s32 $0xFFFFFFD0, s29;
	v5 =	vor.u32 v6, v5  }
0xa6: {  	v31 =	vor.u32 s30, v0;
	v30 =	vadd.s32 v23, v29  }
0xa7: {  	v34 =	vmul.u32 $0x147B, v31;
	v32 =	vshrl.u32 v26, $0xC;
	v33 =	vshll.u32 v30, $0x3  }
0xa8: {  	v11 =	vshrl.u32 v26, $0xD;
	v8 =	vand.u32 $0x7F800, v32;
	v9 =	vand.u32 $0xFFFFFC00, v33  }
0xa9: {  	v35 =	vand.u32 $0x380, v11;
	v36 =	vshrl.u32 v34, $0x14;
	[tilespmem:s28+$0xFFFFFFD0] =	vst v4;
	v4 =	vadd.s32 v8, v9  }
0xaa: {  	v37 =	vmul.u32 $0xFFFFFF38, v36;
	v6 =	vand.u32 $0x7F, v30;
	v5 =	vld.idx.msk [tilespmem:v5+s2+$0x0], $0xffff;
	v4 =	vor.u32 v35, v4  }
0xab: {  	s30 =	sadd.s32 $0xFFFFFFE0, s29;
	v4 =	vor.u32 v6, v4  }
0xac: {  	v39 =	vor.u32 s30, v0;
	v38 =	vadd.s32 v31, v37  }
0xad: {  	v42 =	vmul.u32 $0x147B, v39;
	v40 =	vshrl.u32 v34, $0xC;
	v41 =	vshll.u32 v38, $0x3  }
0xae: {  	v10 =	vshrl.u32 v34, $0xD;
	v8 =	vand.u32 $0x7F800, v40;
	v9 =	vand.u32 $0xFFFFFC00, v41  }
0xaf: {  	v44 =	vshrl.u32 v42, $0x14;
	v43 =	vand.u32 $0x380, v10;
	[tilespmem:s28+$0xFFFFFFE0] =	vst v5;
	v5 =	vadd.s32 v8, v9  }
0xb0: {  	v45 =	vmul.u32 $0xFFFFFF38, v44;
	v6 =	vand.u32 $0x7F, v38;
	v4 =	vld.idx.msk [tilespmem:v4+s2+$0x0], $0xffff;
	v5 =	vor.u32 v43, v5  }
0xb1: {  	s30 =	sadd.s32 $0xFFFFFFF0, s29;
	v5 =	vor.u32 v6, v5  }
0xb2: {  	v46 =	vor.u32 s30, v0;
	v7 =	vadd.s32 v39, v45  }
0xb3: {  	v49 =	vmul.u32 $0x147B, v46;
	v47 =	vshrl.u32 v42, $0xC;
	v48 =	vshll.u32 v7, $0x3  }
0xb4: {  	v11 =	vshrl.u32 v42, $0xD;
	v8 =	vand.u32 $0x7F800, v47;
	v9 =	vand.u32 $0xFFFFFC00, v48  }
0xb5: {  	v50 =	vand.u32 $0x380, v11;
	v51 =	vshrl.u32 v49, $0x14;
	[tilespmem:s28+$0xFFFFFFF0] =	vst v4;
	v4 =	vadd.s32 v8, v9  }
0xb6: {  	v52 =	vmul.u32 $0xFFFFFF38, v51;
	v7 =	vand.u32 $0x7F, v7;
	v5 =	vld.idx.msk [tilespmem:v5+s2+$0x0], $0xffff;
	v4 =	vor.u32 v50, v4  }
0xb7: {  	v4 =	vor.u32 v7, v4  }
0xb8: {  	v53 =	vor.u32 s29, v0;
	v6 =	vadd.s32 v46, v52  }
0xb9: {  	v56 =	vmul.u32 $0x147B, v53;
	v54 =	vshrl.u32 v49, $0xC;
	v55 =	vshll.u32 v6, $0x3  }
0xba: {  	v10 =	vshrl.u32 v49, $0xD;
	v8 =	vand.u32 $0x7F800, v54;
	v9 =	vand.u32 $0xFFFFFC00, v55  }
0xbb: {  	v58 =	vshrl.u32 v56, $0x14;
	v57 =	vand.u32 $0x380, v10;
	[tilespmem:s28+$0x0] =	vst v5;
	v5 =	vadd.s32 v8, v9  }
0xbc: {  	v59 =	vmul.u32 $0xFFFFFF38, v58;
	v6 =	vand.u32 $0x7F, v6;
	v4 =	vld.idx.msk [tilespmem:v4+s2+$0x0], $0xffff;
	v5 =	vor.u32 v57, v5  }
0xbd: {  	v5 =	vor.u32 v6, v5  }
0xbe: {  	v60 =	vadd.s32 v53, v59  }
0xbf: {  	v61 =	vshrl.u32 v56, $0xC;
	v8 =	vshll.u32 v60, $0x3  }
0xc0: {  	v62 =	vshrl.u32 v56, $0xD;
	v7 =	vand.u32 $0x7F800, v61;
	v8 =	vand.u32 $0xFFFFFC00, v8  }
0xc1: {  	v63 =	vand.u32 $0x380, v62;
	[tilespmem:s28+$0x10] =	vst v4;
	v4 =	vadd.s32 v7, v8  }
0xc2: {  	v6 =	vand.u32 $0x7F, v60;
	v5 =	vld.idx.msk [tilespmem:v5+s2+$0x0], $0xffff;
	v4 =	vor.u32 v63, v4  }
0xc3: {  	v4 =	vor.u32 v6, v4;
	_ =	sdelay $0x3  }
0xc4: {  	[tilespmem:s28+$0x20] =	vst v5  }
0xc5: {  	v4 =	vld.idx.msk [tilespmem:v4+s2+$0x0], $0xffff;
	_ =	sdelay $0x4  }
0xc6: {  	[tilespmem:s28+$0x30] =	vst v4  }
0xc7: {  	v4 =	vld [tilespmem:$0x2000];
	_ =	sdelay $0x4  }
0xc8: {  	v5 =	vshrl.u32 v4, $0x3  }
0xc9: {  	v5 =	vmul.u32 $0x18, v5  }
0xca: {  	v4 =	vand.u32 $0x7, v4  }
0xcb: {  	v4 =	vor.u32 v4, v5  }
0xcc: {  	v5 =	vperm.xlane v4, v1;
	_ =	sdelay $0x1  }
0xcd: {  	v5 =	vadd.s32 v2, v5;
	_ =	sdelay $0x1  }
0xce: {  	v4 =	vperm.xlane v4, v3;
	_ =	sdelay $0x1  }
0xcf: {  	s28 =	simm.s32 $0x0;
	v4 =	vadd.s32 v2, v4  }
0xd0: {  	[tilespmem:s10], [sflag:$0x1] =	stream.indirect_vreg.gather [hbm4b:s3+s28], $0x80, v5, vm0, $0xb8;
	[tilespmem:$0x1BC00] =	vst v63  }
0xd1: {  	s31 =	simm.s32 $0x4400  }
0xd2: {  	[tilespmem:s31], [sflag:$0x1] =	stream.indirect_vreg.gather [hbm4b:s5+s28], $0x80, v5, vm1, $0xb8;
	[tilespmem:$0x1BC00] =	vst v63  }
0xd3: {  	s29 =	simm.s32 $0x4800  }
0xd4: {  	[tilespmem:s29], [sflag:$0x1] =	stream.indirect_vreg.gather [hbm4b:s3+s28], $0x80, v4, vm0, $0xb8;
	[tilespmem:$0x1BC00] =	vst v63  }
0xd5: {  	s29 =	simm.s32 $0x5000  }
0xd6: {  	[tilespmem:s29], [sflag:$0x1] =	stream.indirect_vreg.gather [hbm4b:s5+s28], $0x80, v4, vm1, $0xb8;
	[tilespmem:$0x1BC00] =	vst v63  }
0xd7: {  	v4 =	vld [tilespmem:$0x2010];
	_ =	sdelay $0x4  }
0xd8: {  	v5 =	vshrl.u32 v4, $0x3  }
0xd9: {  	v5 =	vmul.u32 $0x18, v5  }
0xda: {  	v4 =	vand.u32 $0x7, v4  }
0xdb: {  	v4 =	vor.u32 v4, v5  }
0xdc: {  	v5 =	vperm.xlane v4, v1;
	_ =	sdelay $0x1  }
0xdd: {  	v5 =	vadd.s32 v2, v5;
	_ =	sdelay $0x1  }
0xde: {  	v4 =	vperm.xlane v4, v3;
	_ =	sdelay $0x1  }
0xdf: {  	s29 =	simm.s32 $0x5400;
	v4 =	vadd.s32 v2, v4  }
0xe0: {  	[tilespmem:s29], [sflag:$0x1] =	stream.indirect_vreg.gather [hbm4b:s3+s28], $0x80, v5, vm0, $0xb8;
	[tilespmem:$0x1BC00] =	vst v63  }
0xe1: {  	s29 =	simm.s32 $0x5C00  }
0xe2: {  	[tilespmem:s29], [sflag:$0x1] =	stream.indirect_vreg.gather [hbm4b:s5+s28], $0x80, v5, vm1, $0xb8;
	[tilespmem:$0x1BC00] =	vst v63  }
0xe3: {  	s29 =	simm.s32 $0x6000  }
0xe4: {  	[tilespmem:s29], [sflag:$0x1] =	stream.indirect_vreg.gather [hbm4b:s3+s28], $0x80, v4, vm0, $0xb8;
	[tilespmem:$0x1BC00] =	vst v63  }
0xe5: {  	s29 =	simm.s32 $0x6800  }
0xe6: {  	[tilespmem:s29], [sflag:$0x1] =	stream.indirect_vreg.gather [hbm4b:s5+s28], $0x80, v4, vm1, $0xb8;
	[tilespmem:$0x1BC00] =	vst v63  }
0xe7: {  	v4 =	vld [tilespmem:$0x2020];
	_ =	sdelay $0x4  }
0xe8: {  	v5 =	vshrl.u32 v4, $0x3  }
0xe9: {  	v5 =	vmul.u32 $0x18, v5  }
0xea: {  	v4 =	vand.u32 $0x7, v4  }
0xeb: {  	v4 =	vor.u32 v4, v5  }
0xec: {  	v5 =	vperm.xlane v4, v1;
	_ =	sdelay $0x1  }
0xed: {  	v5 =	vadd.s32 v2, v5;
	_ =	sdelay $0x1  }
0xee: {  	v4 =	vperm.xlane v4, v3;
	_ =	sdelay $0x1  }
0xef: {  	s29 =	simm.s32 $0x6C00;
	v4 =	vadd.s32 v2, v4  }
0xf0: {  	[tilespmem:s29], [sflag:$0x1] =	stream.indirect_vreg.gather [hbm4b:s3+s28], $0x80, v5, vm0, $0xb8;
	[tilespmem:$0x1BC00] =	vst v63  }
0xf1: {  	s29 =	simm.s32 $0x7400  }
0xf2: {  	[tilespmem:s29], [sflag:$0x1] =	stream.indirect_vreg.gather [hbm4b:s5+s28], $0x80, v5, vm1, $0xb8;
	[tilespmem:$0x1BC00] =	vst v63  }
0xf3: {  	s29 =	simm.s32 $0x7800  }
0xf4: {  	[tilespmem:s29], [sflag:$0x1] =	stream.indirect_vreg.gather [hbm4b:s3+s28], $0x80, v4, vm0, $0xb8;
	[tilespmem:$0x1BC00] =	vst v63  }
0xf5: {  	s29 =	simm.s32 $0x8000  }
0xf6: {  	[tilespmem:s29], [sflag:$0x1] =	stream.indirect_vreg.gather [hbm4b:s5+s28], $0x80, v4, vm1, $0xb8;
	[tilespmem:$0x1BC00] =	vst v63  }
0xf7: {  	v4 =	vld [tilespmem:$0x2030];
	_ =	sdelay $0x4  }
0xf8: {  	v5 =	vshrl.u32 v4, $0x3  }
0xf9: {  	v5 =	vmul.u32 $0x18, v5  }
0xfa: {  	v4 =	vand.u32 $0x7, v4  }
0xfb: {  	v4 =	vor.u32 v4, v5  }
0xfc: {  	v5 =	vperm.xlane v4, v1;
	_ =	sdelay $0x1  }
0xfd: {  	v5 =	vadd.s32 v2, v5;
	_ =	sdelay $0x1  }
0xfe: {  	v4 =	vperm.xlane v4, v3;
	_ =	sdelay $0x1  }
0xff: {  	s29 =	simm.s32 $0x8400;
	v4 =	vadd.s32 v2, v4  }
0x100: {  	[tilespmem:s29], [sflag:$0x1] =	stream.indirect_vreg.gather [hbm4b:s3+s28], $0x80, v5, vm0, $0xb8;
	[tilespmem:$0x1BC00] =	vst v63  }
0x101: {  	s29 =	simm.s32 $0x8C00  }
0x102: {  	[tilespmem:s29], [sflag:$0x1] =	stream.indirect_vreg.gather [hbm4b:s5+s28], $0x80, v5, vm1, $0xb8;
	[tilespmem:$0x1BC00] =	vst v63  }
0x103: {  	s29 =	simm.s32 $0x9000  }
0x104: {  	[tilespmem:s29], [sflag:$0x1] =	stream.indirect_vreg.gather [hbm4b:s3+s28], $0x80, v4, vm0, $0xb8;
	[tilespmem:$0x1BC00] =	vst v63  }
0x105: {  	s29 =	simm.s32 $0x9800  }
0x106: {  	[tilespmem:s29], [sflag:$0x1] =	stream.indirect_vreg.gather [hbm4b:s5+s28], $0x80, v4, vm1, $0xb8;
	[tilespmem:$0x1BC00] =	vst v63  }
0x107: {  	v4 =	vld [tilespmem:$0x2040];
	_ =	sdelay $0x4  }
0x108: {  	v5 =	vshrl.u32 v4, $0x3  }
0x109: {  	v5 =	vmul.u32 $0x18, v5  }
0x10a: {  	v4 =	vand.u32 $0x7, v4  }
0x10b: {  	v4 =	vor.u32 v4, v5  }
0x10c: {  	v5 =	vperm.xlane v4, v1;
	_ =	sdelay $0x1  }
0x10d: {  	v5 =	vadd.s32 v2, v5;
	_ =	sdelay $0x1  }
0x10e: {  	v4 =	vperm.xlane v4, v3;
	_ =	sdelay $0x1  }
0x10f: {  	s29 =	simm.s32 $0x9C00;
	v4 =	vadd.s32 v2, v4  }
0x110: {  	[tilespmem:s29], [sflag:$0x1] =	stream.indirect_vreg.gather [hbm4b:s3+s28], $0x80, v5, vm0, $0xb8;
	[tilespmem:$0x1BC00] =	vst v63  }
0x111: {  	s29 =	simm.s32 $0xA400  }
0x112: {  	[tilespmem:s29], [sflag:$0x1] =	stream.indirect_vreg.gather [hbm4b:s5+s28], $0x80, v5, vm1, $0xb8;
	[tilespmem:$0x1BC00] =	vst v63  }
0x113: {  	s29 =	simm.s32 $0xA800  }
0x114: {  	[tilespmem:s29], [sflag:$0x1] =	stream.indirect_vreg.gather [hbm4b:s3+s28], $0x80, v4, vm0, $0xb8;
	[tilespmem:$0x1BC00] =	vst v63  }
0x115: {  	s29 =	simm.s32 $0xB000  }
0x116: {  	[tilespmem:s29], [sflag:$0x1] =	stream.indirect_vreg.gather [hbm4b:s5+s28], $0x80, v4, vm1, $0xb8;
	[tilespmem:$0x1BC00] =	vst v63  }
0x117: {  	v4 =	vld [tilespmem:$0x2050];
	_ =	sdelay $0x4  }
0x118: {  	v5 =	vshrl.u32 v4, $0x3  }
0x119: {  	v5 =	vmul.u32 $0x18, v5  }
0x11a: {  	v4 =	vand.u32 $0x7, v4  }
0x11b: {  	v4 =	vor.u32 v4, v5  }
0x11c: {  	v5 =	vperm.xlane v4, v1;
	_ =	sdelay $0x1  }
0x11d: {  	v5 =	vadd.s32 v2, v5;
	_ =	sdelay $0x1  }
0x11e: {  	v4 =	vperm.xlane v4, v3;
	_ =	sdelay $0x1  }
0x11f: {  	s29 =	simm.s32 $0xB400;
	v4 =	vadd.s32 v2, v4  }
0x120: {  	[tilespmem:s29], [sflag:$0x1] =	stream.indirect_vreg.gather [hbm4b:s3+s28], $0x80, v5, vm0, $0xb8;
	[tilespmem:$0x1BC00] =	vst v63  }
0x121: {  	s29 =	simm.s32 $0xBC00  }
0x122: {  	[tilespmem:s29], [sflag:$0x1] =	stream.indirect_vreg.gather [hbm4b:s5+s28], $0x80, v5, vm1, $0xb8;
	[tilespmem:$0x1BC00] =	vst v63  }
0x123: {  	s29 =	simm.s32 $0xC000  }
0x124: {  	[tilespmem:s29], [sflag:$0x1] =	stream.indirect_vreg.gather [hbm4b:s3+s28], $0x80, v4, vm0, $0xb8;
	[tilespmem:$0x1BC00] =	vst v63  }
0x125: {  	s29 =	simm.s32 $0xC800  }
0x126: {  	[tilespmem:s29], [sflag:$0x1] =	stream.indirect_vreg.gather [hbm4b:s5+s28], $0x80, v4, vm1, $0xb8;
	[tilespmem:$0x1BC00] =	vst v63  }
0x127: {  	v4 =	vld [tilespmem:$0x2060];
	_ =	sdelay $0x4  }
0x128: {  	v5 =	vshrl.u32 v4, $0x3  }
0x129: {  	v5 =	vmul.u32 $0x18, v5  }
0x12a: {  	v4 =	vand.u32 $0x7, v4  }
0x12b: {  	v4 =	vor.u32 v4, v5  }
0x12c: {  	v5 =	vperm.xlane v4, v1;
	_ =	sdelay $0x1  }
0x12d: {  	v5 =	vadd.s32 v2, v5;
	_ =	sdelay $0x1  }
0x12e: {  	v4 =	vperm.xlane v4, v3;
	_ =	sdelay $0x1  }
0x12f: {  	s29 =	simm.s32 $0xCC00;
	v4 =	vadd.s32 v2, v4  }
0x130: {  	[tilespmem:s29], [sflag:$0x1] =	stream.indirect_vreg.gather [hbm4b:s3+s28], $0x80, v5, vm0, $0xb8;
	[tilespmem:$0x1BC00] =	vst v63  }
0x131: {  	s29 =	simm.s32 $0xD400  }
0x132: {  	[tilespmem:s29], [sflag:$0x1] =	stream.indirect_vreg.gather [hbm4b:s5+s28], $0x80, v5, vm1, $0xb8;
	[tilespmem:$0x1BC00] =	vst v63  }
0x133: {  	s29 =	simm.s32 $0xD800  }
0x134: {  	[tilespmem:s29], [sflag:$0x1] =	stream.indirect_vreg.gather [hbm4b:s3+s28], $0x80, v4, vm0, $0xb8;
	[tilespmem:$0x1BC00] =	vst v63  }
0x135: {  	s29 =	simm.s32 $0xE000  }
0x136: {  	[tilespmem:s29], [sflag:$0x1] =	stream.indirect_vreg.gather [hbm4b:s5+s28], $0x80, v4, vm1, $0xb8;
	[tilespmem:$0x1BC00] =	vst v63  }
0x137: {  	v4 =	vld [tilespmem:$0x2070];
	_ =	sdelay $0x4  }
0x138: {  	v5 =	vshrl.u32 v4, $0x3  }
0x139: {  	v5 =	vmul.u32 $0x18, v5  }
0x13a: {  	v4 =	vand.u32 $0x7, v4  }
0x13b: {  	v4 =	vor.u32 v4, v5  }
0x13c: {  	v5 =	vperm.xlane v4, v1;
	_ =	sdelay $0x1  }
0x13d: {  	v5 =	vadd.s32 v2, v5;
	_ =	sdelay $0x1  }
0x13e: {  	v4 =	vperm.xlane v4, v3;
	_ =	sdelay $0x1  }
0x13f: {  	s29 =	simm.s32 $0xE400;
	v4 =	vadd.s32 v2, v4  }
0x140: {  	[tilespmem:s29], [sflag:$0x1] =	stream.indirect_vreg.gather [hbm4b:s3+s28], $0x80, v5, vm0, $0xb8;
	[tilespmem:$0x1BC00] =	vst v63  }
0x141: {  	s29 =	simm.s32 $0xEC00  }
0x142: {  	[tilespmem:s29], [sflag:$0x1] =	stream.indirect_vreg.gather [hbm4b:s5+s28], $0x80, v5, vm1, $0xb8;
	[tilespmem:$0x1BC00] =	vst v63  }
0x143: {  	s29 =	simm.s32 $0xF000  }
0x144: {  	[tilespmem:s29], [sflag:$0x1] =	stream.indirect_vreg.gather [hbm4b:s3+s28], $0x80, v4, vm0, $0xb8;
	[tilespmem:$0x1BC00] =	vst v63  }
0x145: {  	s29 =	simm.s32 $0xF800  }
0x146: {  	[tilespmem:s29], [sflag:$0x1] =	stream.indirect_vreg.gather [hbm4b:s5+s28], $0x80, v4, vm1, $0xb8;
	[tilespmem:$0x1BC00] =	vst v63  }
0x147: {  	v4 =	vld [tilespmem:$0x2080];
	_ =	sdelay $0x4  }
0x148: {  	v5 =	vshrl.u32 v4, $0x3  }
0x149: {  	v5 =	vmul.u32 $0x18, v5  }
0x14a: {  	v4 =	vand.u32 $0x7, v4  }
0x14b: {  	v4 =	vor.u32 v4, v5  }
0x14c: {  	v5 =	vperm.xlane v4, v1;
	_ =	sdelay $0x1  }
0x14d: {  	v5 =	vadd.s32 v2, v5;
	_ =	sdelay $0x1  }
0x14e: {  	v4 =	vperm.xlane v4, v3;
	_ =	sdelay $0x1  }
0x14f: {  	v4 =	vadd.s32 v2, v4  }
0x150: {  	[tilespmem:s15], [sflag:$0x2] =	stream.indirect_vreg.gather [hbm4b:s3+s28], $0x80, v5, vm0, $0xb8;
	[tilespmem:$0x1BC00] =	vst v63  }
0x151: {  	s29 =	simm.s32 $0x10400  }
0x152: {  	[tilespmem:s29], [sflag:$0x2] =	stream.indirect_vreg.gather [hbm4b:s5+s28], $0x80, v5, vm1, $0xb8;
	[tilespmem:$0x1BC00] =	vst v63  }
0x153: {  	s29 =	simm.s32 $0x10800  }
0x154: {  	[tilespmem:s29], [sflag:$0x2] =	stream.indirect_vreg.gather [hbm4b:s3+s28], $0x80, v4, vm0, $0xb8;
	[tilespmem:$0x1BC00] =	vst v63  }
0x155: {  	s29 =	simm.s32 $0x11000  }
0x156: {  	[tilespmem:s29], [sflag:$0x2] =	stream.indirect_vreg.gather [hbm4b:s5+s28], $0x80, v4, vm1, $0xb8;
	[tilespmem:$0x1BC00] =	vst v63  }
0x157: {  	v4 =	vld [tilespmem:$0x2090];
	_ =	sdelay $0x4  }
0x158: {  	v5 =	vshrl.u32 v4, $0x3  }
0x159: {  	v5 =	vmul.u32 $0x18, v5  }
0x15a: {  	v4 =	vand.u32 $0x7, v4  }
0x15b: {  	v4 =	vor.u32 v4, v5  }
0x15c: {  	v5 =	vperm.xlane v4, v1;
	_ =	sdelay $0x1  }
0x15d: {  	v5 =	vadd.s32 v2, v5;
	_ =	sdelay $0x1  }
0x15e: {  	v4 =	vperm.xlane v4, v3;
	_ =	sdelay $0x1  }
0x15f: {  	s29 =	simm.s32 $0x11400;
	v4 =	vadd.s32 v2, v4  }
0x160: {  	[tilespmem:s29], [sflag:$0x2] =	stream.indirect_vreg.gather [hbm4b:s3+s28], $0x80, v5, vm0, $0xb8;
	[tilespmem:$0x1BC00] =	vst v63  }
0x161: {  	s29 =	simm.s32 $0x11C00  }
0x162: {  	[tilespmem:s29], [sflag:$0x2] =	stream.indirect_vreg.gather [hbm4b:s5+s28], $0x80, v5, vm1, $0xb8;
	[tilespmem:$0x1BC00] =	vst v63  }
0x163: {  	s29 =	simm.s32 $0x12000  }
0x164: {  	[tilespmem:s29], [sflag:$0x2] =	stream.indirect_vreg.gather [hbm4b:s3+s28], $0x80, v4, vm0, $0xb8;
	[tilespmem:$0x1BC00] =	vst v63  }
0x165: {  	s29 =	simm.s32 $0x12800  }
0x166: {  	[tilespmem:s29], [sflag:$0x2] =	stream.indirect_vreg.gather [hbm4b:s5+s28], $0x80, v4, vm1, $0xb8;
	[tilespmem:$0x1BC00] =	vst v63  }
0x167: {  	v4 =	vld [tilespmem:$0x20A0];
	_ =	sdelay $0x4  }
0x168: {  	v5 =	vshrl.u32 v4, $0x3  }
0x169: {  	v5 =	vmul.u32 $0x18, v5  }
0x16a: {  	v4 =	vand.u32 $0x7, v4  }
0x16b: {  	v4 =	vor.u32 v4, v5  }
0x16c: {  	v5 =	vperm.xlane v4, v1;
	_ =	sdelay $0x1  }
0x16d: {  	v5 =	vadd.s32 v2, v5;
	_ =	sdelay $0x1  }
0x16e: {  	v4 =	vperm.xlane v4, v3;
	_ =	sdelay $0x1  }
0x16f: {  	s29 =	simm.s32 $0x12C00;
	v4 =	vadd.s32 v2, v4  }
0x170: {  	[tilespmem:s29], [sflag:$0x2] =	stream.indirect_vreg.gather [hbm4b:s3+s28], $0x80, v5, vm0, $0xb8;
	[tilespmem:$0x1BC00] =	vst v63  }
0x171: {  	s29 =	simm.s32 $0x13400  }
0x172: {  	[tilespmem:s29], [sflag:$0x2] =	stream.indirect_vreg.gather [hbm4b:s5+s28], $0x80, v5, vm1, $0xb8;
	[tilespmem:$0x1BC00] =	vst v63  }
0x173: {  	s29 =	simm.s32 $0x13800  }
0x174: {  	[tilespmem:s29], [sflag:$0x2] =	stream.indirect_vreg.gather [hbm4b:s3+s28], $0x80, v4, vm0, $0xb8;
	[tilespmem:$0x1BC00] =	vst v63  }
0x175: {  	s29 =	simm.s32 $0x14000  }
0x176: {  	[tilespmem:s29], [sflag:$0x2] =	stream.indirect_vreg.gather [hbm4b:s5+s28], $0x80, v4, vm1, $0xb8;
	[tilespmem:$0x1BC00] =	vst v63  }
0x177: {  	v4 =	vld [tilespmem:$0x20B0];
	_ =	sdelay $0x4  }
0x178: {  	v5 =	vshrl.u32 v4, $0x3  }
0x179: {  	v5 =	vmul.u32 $0x18, v5  }
0x17a: {  	v4 =	vand.u32 $0x7, v4  }
0x17b: {  	v4 =	vor.u32 v4, v5  }
0x17c: {  	v5 =	vperm.xlane v4, v1;
	_ =	sdelay $0x1  }
0x17d: {  	v5 =	vadd.s32 v2, v5;
	_ =	sdelay $0x1  }
0x17e: {  	v4 =	vperm.xlane v4, v3;
	_ =	sdelay $0x1  }
0x17f: {  	s29 =	simm.s32 $0x14400;
	v4 =	vadd.s32 v2, v4  }
0x180: {  	[tilespmem:s29], [sflag:$0x2] =	stream.indirect_vreg.gather [hbm4b:s3+s28], $0x80, v5, vm0, $0xb8;
	[tilespmem:$0x1BC00] =	vst v63  }
0x181: {  	s29 =	simm.s32 $0x14C00  }
0x182: {  	[tilespmem:s29], [sflag:$0x2] =	stream.indirect_vreg.gather [hbm4b:s5+s28], $0x80, v5, vm1, $0xb8;
	[tilespmem:$0x1BC00] =	vst v63  }
0x183: {  	s29 =	simm.s32 $0x15000  }
0x184: {  	[tilespmem:s29], [sflag:$0x2] =	stream.indirect_vreg.gather [hbm4b:s3+s28], $0x80, v4, vm0, $0xb8;
	[tilespmem:$0x1BC00] =	vst v63  }
0x185: {  	s29 =	simm.s32 $0x15800  }
0x186: {  	[tilespmem:s29], [sflag:$0x2] =	stream.indirect_vreg.gather [hbm4b:s5+s28], $0x80, v4, vm1, $0xb8;
	[tilespmem:$0x1BC00] =	vst v63  }
0x187: {  	v4 =	vld [tilespmem:$0x20C0];
	_ =	sdelay $0x4  }
0x188: {  	v5 =	vshrl.u32 v4, $0x3  }
0x189: {  	v5 =	vmul.u32 $0x18, v5  }
0x18a: {  	v4 =	vand.u32 $0x7, v4  }
0x18b: {  	v4 =	vor.u32 v4, v5  }
0x18c: {  	v5 =	vperm.xlane v4, v1;
	_ =	sdelay $0x1  }
0x18d: {  	v5 =	vadd.s32 v2, v5;
	_ =	sdelay $0x1  }
0x18e: {  	v4 =	vperm.xlane v4, v3;
	_ =	sdelay $0x1  }
0x18f: {  	v4 =	vadd.s32 v2, v4  }
0x190: {  	[tilespmem:s0], [sflag:$0x2] =	stream.indirect_vreg.gather [hbm4b:s3+s28], $0x80, v5, vm0, $0xb8;
	[tilespmem:$0x1BC00] =	vst v63  }
0x191: {  	_ = 	snop  }
0x192: {  	[tilespmem:s1], [sflag:$0x2] =	stream.indirect_vreg.gather [hbm4b:s5+s28], $0x80, v5, vm1, $0xb8;
	[tilespmem:$0x1BC00] =	vst v63  }
0x193: {  	_ = 	snop  }
0x194: {  	[tilespmem:s6], [sflag:$0x2] =	stream.indirect_vreg.gather [hbm4b:s3+s28], $0x80, v4, vm0, $0xb8;
	[tilespmem:$0x1BC00] =	vst v63  }
0x195: {  	_ = 	snop  }
0x196: {  	[tilespmem:s7], [sflag:$0x2] =	stream.indirect_vreg.gather [hbm4b:s5+s28], $0x80, v4, vm1, $0xb8;
	[tilespmem:$0x1BC00] =	vst v63  }
0x197: {  	v4 =	vld [tilespmem:$0x20D0];
	_ =	sdelay $0x4  }
0x198: {  	v5 =	vshrl.u32 v4, $0x3  }
0x199: {  	v5 =	vmul.u32 $0x18, v5  }
0x19a: {  	v4 =	vand.u32 $0x7, v4  }
0x19b: {  	v4 =	vor.u32 v4, v5  }
0x19c: {  	v5 =	vperm.xlane v4, v1;
	_ =	sdelay $0x1  }
0x19d: {  	v5 =	vadd.s32 v2, v5;
	_ =	sdelay $0x1  }
0x19e: {  	v4 =	vperm.xlane v4, v3;
	_ =	sdelay $0x1  }
0x19f: {  	v4 =	vadd.s32 v2, v4  }
0x1a0: {  	[tilespmem:s8], [sflag:$0x2] =	stream.indirect_vreg.gather [hbm4b:s3+s28], $0x80, v5, vm0, $0xb8;
	[tilespmem:$0x1BC00] =	vst v63  }
0x1a1: {  	_ = 	snop  }
0x1a2: {  	[tilespmem:s4], [sflag:$0x2] =	stream.indirect_vreg.gather [hbm4b:s5+s28], $0x80, v5, vm1, $0xb8;
	[tilespmem:$0x1BC00] =	vst v63  }
0x1a3: {  	_ = 	snop  }
0x1a4: {  	[tilespmem:s9], [sflag:$0x2] =	stream.indirect_vreg.gather [hbm4b:s3+s28], $0x80, v4, vm0, $0xb8;
	[tilespmem:$0x1BC00] =	vst v63  }
0x1a5: {  	_ = 	snop  }
0x1a6: {  	[tilespmem:s11], [sflag:$0x2] =	stream.indirect_vreg.gather [hbm4b:s5+s28], $0x80, v4, vm1, $0xb8;
	[tilespmem:$0x1BC00] =	vst v63  }
0x1a7: {  	v4 =	vld [tilespmem:$0x20E0];
	_ =	sdelay $0x4  }
0x1a8: {  	v5 =	vshrl.u32 v4, $0x3  }
0x1a9: {  	v5 =	vmul.u32 $0x18, v5  }
0x1aa: {  	v4 =	vand.u32 $0x7, v4  }
0x1ab: {  	v4 =	vor.u32 v4, v5  }
0x1ac: {  	v5 =	vperm.xlane v4, v1;
	_ =	sdelay $0x1  }
0x1ad: {  	v5 =	vadd.s32 v2, v5;
	_ =	sdelay $0x1  }
0x1ae: {  	v4 =	vperm.xlane v4, v3;
	_ =	sdelay $0x1  }
0x1af: {  	v4 =	vadd.s32 v2, v4  }
0x1b0: {  	[tilespmem:s12], [sflag:$0x2] =	stream.indirect_vreg.gather [hbm4b:s3+s28], $0x80, v5, vm0, $0xb8;
	[tilespmem:$0x1BC00] =	vst v63  }
0x1b1: {  	_ = 	snop  }
0x1b2: {  	[tilespmem:s13], [sflag:$0x2] =	stream.indirect_vreg.gather [hbm4b:s5+s28], $0x80, v5, vm1, $0xb8;
	[tilespmem:$0x1BC00] =	vst v63  }
0x1b3: {  	_ = 	snop  }
0x1b4: {  	[tilespmem:s14], [sflag:$0x2] =	stream.indirect_vreg.gather [hbm4b:s3+s28], $0x80, v4, vm0, $0xb8;
	[tilespmem:$0x1BC00] =	vst v63  }
0x1b5: {  	_ = 	snop  }
0x1b6: {  	[tilespmem:s16], [sflag:$0x2] =	stream.indirect_vreg.gather [hbm4b:s5+s28], $0x80, v4, vm1, $0xb8;
	[tilespmem:$0x1BC00] =	vst v63  }
0x1b7: {  	v4 =	vld [tilespmem:$0x20F0];
	_ =	sdelay $0x4  }
0x1b8: {  	v5 =	vshrl.u32 v4, $0x3  }
0x1b9: {  	v5 =	vmul.u32 $0x18, v5  }
0x1ba: {  	v4 =	vand.u32 $0x7, v4  }
0x1bb: {  	v4 =	vor.u32 v4, v5  }
0x1bc: {  	v5 =	vperm.xlane v4, v1;
	_ =	sdelay $0x1  }
0x1bd: {  	v5 =	vadd.s32 v2, v5;
	_ =	sdelay $0x1  }
0x1be: {  	v4 =	vperm.xlane v4, v3;
	_ =	sdelay $0x1  }
0x1bf: {  	v4 =	vadd.s32 v2, v4  }
0x1c0: {  	[tilespmem:s17], [sflag:$0x2] =	stream.indirect_vreg.gather [hbm4b:s3+s28], $0x80, v5, vm0, $0xb8;
	[tilespmem:$0x1BC00] =	vst v63  }
0x1c1: {  	_ = 	snop  }
0x1c2: {  	[tilespmem:s18], [sflag:$0x2] =	stream.indirect_vreg.gather [hbm4b:s5+s28], $0x80, v5, vm1, $0xb8;
	[tilespmem:$0x1BC00] =	vst v63  }
0x1c3: {  	_ = 	snop  }
0x1c4: {  	[tilespmem:s19], [sflag:$0x2] =	stream.indirect_vreg.gather [hbm4b:s3+s28], $0x80, v4, vm0, $0xb8;
	[tilespmem:$0x1BC00] =	vst v63  }
0x1c5: {  	s29 =	simm.s32 $0x21F0  }
0x1c6: {  	[tilespmem:s20], [sflag:$0x2] =	stream.indirect_vreg.gather [hbm4b:s5+s28], $0x80, v4, vm1, $0xb8;
	[tilespmem:$0x1BC00] =	vst v63  }
.LBB2_5:
0x1c7: {  	_ =	swait.ge [sflag:s21], $0xC000  }
0x1c8: {  	p0 =	seq.s32 s28, $0x48000;
	[sflag:s21] =	ssyncset.done $0x0  }
.Ltmp5:
0x1c9: {  	s30 =	sadd.s32 s28, s25;
	[sflag:s21] =	ssyncadd.s32 $0xFFFF4000;
	(pc) =	sbr.rel @p0 .LBB2_7-.Ltmp5, $4  }
0x1ca: {  	[hbm4b:s30+s2] =	stream.linear.scatter [tilespmem:s10], [sflag:$0x3], $0xC000, $0x38;
	[tilespmem:$0x1BC00] =	vst v63  }
0x1cb: {  	_ =	swait.ge [sflag:s22], $0xC000  }
0x1cc: {  	[sflag:s22] =	ssyncset.done $0x0  }
0x1cd: {  	[sflag:s22] =	ssyncadd.s32 $0xFFFF4000  }
0x1ce: {  	v4 =	vld [tilespmem:s29+$0xFFFFFF10];
	_ =	sdelay $0x4  }
0x1cf: {  	v5 =	vshrl.u32 v4, $0x3  }
0x1d0: {  	v5 =	vmul.u32 $0x18, v5  }
0x1d1: {  	v4 =	vand.u32 $0x7, v4  }
0x1d2: {  	v4 =	vor.u32 v4, v5  }
0x1d3: {  	v5 =	vperm.xlane v4, v1;
	_ =	sdelay $0x1  }
0x1d4: {  	v5 =	vadd.s32 v2, v5;
	_ =	sdelay $0x1  }
0x1d5: {  	v4 =	vperm.xlane v4, v3;
	_ =	sdelay $0x1  }
0x1d6: {  	v4 =	vadd.s32 v2, v4  }
0x1d7: {  	[tilespmem:s10], [sflag:$0x1] =	stream.indirect_vreg.gather [hbm4b:s3+s2], $0x80, v5, vm0, $0xb8;
	[tilespmem:$0x1BC00] =	vst v63  }
0x1d8: {  	_ = 	snop  }
0x1d9: {  	[tilespmem:s31], [sflag:$0x1] =	stream.indirect_vreg.gather [hbm4b:s5+s2], $0x80, v5, vm1, $0xb8;
	[tilespmem:$0x1BC00] =	vst v63  }
0x1da: {  	s30 =	simm.s32 $0x4800  }
0x1db: {  	[tilespmem:s30], [sflag:$0x1] =	stream.indirect_vreg.gather [hbm4b:s3+s2], $0x80, v4, vm0, $0xb8;
	[tilespmem:$0x1BC00] =	vst v63  }
0x1dc: {  	s30 =	simm.s32 $0x5000  }
0x1dd: {  	[tilespmem:s30], [sflag:$0x1] =	stream.indirect_vreg.gather [hbm4b:s5+s2], $0x80, v4, vm1, $0xb8;
	[tilespmem:$0x1BC00] =	vst v63  }
0x1de: {  	v4 =	vld [tilespmem:s29+$0xFFFFFF20];
	_ =	sdelay $0x4  }
0x1df: {  	v5 =	vshrl.u32 v4, $0x3  }
0x1e0: {  	v5 =	vmul.u32 $0x18, v5  }
0x1e1: {  	v4 =	vand.u32 $0x7, v4  }
0x1e2: {  	v4 =	vor.u32 v4, v5  }
0x1e3: {  	v5 =	vperm.xlane v4, v1;
	_ =	sdelay $0x1  }
0x1e4: {  	v5 =	vadd.s32 v2, v5;
	_ =	sdelay $0x1  }
0x1e5: {  	v4 =	vperm.xlane v4, v3;
	_ =	sdelay $0x1  }
0x1e6: {  	s30 =	simm.s32 $0x5400;
	v4 =	vadd.s32 v2, v4  }
0x1e7: {  	[tilespmem:s30], [sflag:$0x1] =	stream.indirect_vreg.gather [hbm4b:s3+s2], $0x80, v5, vm0, $0xb8;
	[tilespmem:$0x1BC00] =	vst v63  }
0x1e8: {  	s30 =	simm.s32 $0x5C00  }
0x1e9: {  	[tilespmem:s30], [sflag:$0x1] =	stream.indirect_vreg.gather [hbm4b:s5+s2], $0x80, v5, vm1, $0xb8;
	[tilespmem:$0x1BC00] =	vst v63  }
0x1ea: {  	s30 =	simm.s32 $0x6000  }
0x1eb: {  	[tilespmem:s30], [sflag:$0x1] =	stream.indirect_vreg.gather [hbm4b:s3+s2], $0x80, v4, vm0, $0xb8;
	[tilespmem:$0x1BC00] =	vst v63  }
0x1ec: {  	s30 =	simm.s32 $0x6800  }
0x1ed: {  	[tilespmem:s30], [sflag:$0x1] =	stream.indirect_vreg.gather [hbm4b:s5+s2], $0x80, v4, vm1, $0xb8;
	[tilespmem:$0x1BC00] =	vst v63  }
0x1ee: {  	v4 =	vld [tilespmem:s29+$0xFFFFFF30];
	_ =	sdelay $0x4  }
0x1ef: {  	v5 =	vshrl.u32 v4, $0x3  }
0x1f0: {  	v5 =	vmul.u32 $0x18, v5  }
0x1f1: {  	v4 =	vand.u32 $0x7, v4  }
0x1f2: {  	v4 =	vor.u32 v4, v5  }
0x1f3: {  	v5 =	vperm.xlane v4, v1;
	_ =	sdelay $0x1  }
0x1f4: {  	v5 =	vadd.s32 v2, v5;
	_ =	sdelay $0x1  }
0x1f5: {  	v4 =	vperm.xlane v4, v3;
	_ =	sdelay $0x1  }
0x1f6: {  	s30 =	simm.s32 $0x6C00;
	v4 =	vadd.s32 v2, v4  }
0x1f7: {  	[tilespmem:s30], [sflag:$0x1] =	stream.indirect_vreg.gather [hbm4b:s3+s2], $0x80, v5, vm0, $0xb8;
	[tilespmem:$0x1BC00] =	vst v63  }
0x1f8: {  	s30 =	simm.s32 $0x7400  }
0x1f9: {  	[tilespmem:s30], [sflag:$0x1] =	stream.indirect_vreg.gather [hbm4b:s5+s2], $0x80, v5, vm1, $0xb8;
	[tilespmem:$0x1BC00] =	vst v63  }
0x1fa: {  	s30 =	simm.s32 $0x7800  }
0x1fb: {  	[tilespmem:s30], [sflag:$0x1] =	stream.indirect_vreg.gather [hbm4b:s3+s2], $0x80, v4, vm0, $0xb8;
	[tilespmem:$0x1BC00] =	vst v63  }
0x1fc: {  	s30 =	simm.s32 $0x8000  }
0x1fd: {  	[tilespmem:s30], [sflag:$0x1] =	stream.indirect_vreg.gather [hbm4b:s5+s2], $0x80, v4, vm1, $0xb8;
	[tilespmem:$0x1BC00] =	vst v63  }
0x1fe: {  	v4 =	vld [tilespmem:s29+$0xFFFFFF40];
	_ =	sdelay $0x4  }
0x1ff: {  	v5 =	vshrl.u32 v4, $0x3  }
0x200: {  	v5 =	vmul.u32 $0x18, v5  }
0x201: {  	v4 =	vand.u32 $0x7, v4  }
0x202: {  	v4 =	vor.u32 v4, v5  }
0x203: {  	v5 =	vperm.xlane v4, v1;
	_ =	sdelay $0x1  }
0x204: {  	v5 =	vadd.s32 v2, v5;
	_ =	sdelay $0x1  }
0x205: {  	v4 =	vperm.xlane v4, v3;
	_ =	sdelay $0x1  }
0x206: {  	s30 =	simm.s32 $0x8400;
	v4 =	vadd.s32 v2, v4  }
0x207: {  	[tilespmem:s30], [sflag:$0x1] =	stream.indirect_vreg.gather [hbm4b:s3+s2], $0x80, v5, vm0, $0xb8;
	[tilespmem:$0x1BC00] =	vst v63  }
0x208: {  	s30 =	simm.s32 $0x8C00  }
0x209: {  	[tilespmem:s30], [sflag:$0x1] =	stream.indirect_vreg.gather [hbm4b:s5+s2], $0x80, v5, vm1, $0xb8;
	[tilespmem:$0x1BC00] =	vst v63  }
0x20a: {  	s30 =	simm.s32 $0x9000  }
0x20b: {  	[tilespmem:s30], [sflag:$0x1] =	stream.indirect_vreg.gather [hbm4b:s3+s2], $0x80, v4, vm0, $0xb8;
	[tilespmem:$0x1BC00] =	vst v63  }
0x20c: {  	s30 =	simm.s32 $0x9800  }
0x20d: {  	[tilespmem:s30], [sflag:$0x1] =	stream.indirect_vreg.gather [hbm4b:s5+s2], $0x80, v4, vm1, $0xb8;
	[tilespmem:$0x1BC00] =	vst v63  }
0x20e: {  	v4 =	vld [tilespmem:s29+$0xFFFFFF50];
	_ =	sdelay $0x4  }
0x20f: {  	v5 =	vshrl.u32 v4, $0x3  }
0x210: {  	v5 =	vmul.u32 $0x18, v5  }
0x211: {  	v4 =	vand.u32 $0x7, v4  }
0x212: {  	v4 =	vor.u32 v4, v5  }
0x213: {  	v5 =	vperm.xlane v4, v1;
	_ =	sdelay $0x1  }
0x214: {  	v5 =	vadd.s32 v2, v5;
	_ =	sdelay $0x1  }
0x215: {  	v4 =	vperm.xlane v4, v3;
	_ =	sdelay $0x1  }
0x216: {  	s30 =	simm.s32 $0x9C00;
	v4 =	vadd.s32 v2, v4  }
0x217: {  	[tilespmem:s30], [sflag:$0x1] =	stream.indirect_vreg.gather [hbm4b:s3+s2], $0x80, v5, vm0, $0xb8;
	[tilespmem:$0x1BC00] =	vst v63  }
0x218: {  	s30 =	simm.s32 $0xA400  }
0x219: {  	[tilespmem:s30], [sflag:$0x1] =	stream.indirect_vreg.gather [hbm4b:s5+s2], $0x80, v5, vm1, $0xb8;
	[tilespmem:$0x1BC00] =	vst v63  }
0x21a: {  	s30 =	simm.s32 $0xA800  }
0x21b: {  	[tilespmem:s30], [sflag:$0x1] =	stream.indirect_vreg.gather [hbm4b:s3+s2], $0x80, v4, vm0, $0xb8;
	[tilespmem:$0x1BC00] =	vst v63  }
0x21c: {  	s30 =	simm.s32 $0xB000  }
0x21d: {  	[tilespmem:s30], [sflag:$0x1] =	stream.indirect_vreg.gather [hbm4b:s5+s2], $0x80, v4, vm1, $0xb8;
	[tilespmem:$0x1BC00] =	vst v63  }
0x21e: {  	v4 =	vld [tilespmem:s29+$0xFFFFFF60];
	_ =	sdelay $0x4  }
0x21f: {  	v5 =	vshrl.u32 v4, $0x3  }
0x220: {  	v5 =	vmul.u32 $0x18, v5  }
0x221: {  	v4 =	vand.u32 $0x7, v4  }
0x222: {  	v4 =	vor.u32 v4, v5  }
0x223: {  	v5 =	vperm.xlane v4, v1;
	_ =	sdelay $0x1  }
0x224: {  	v5 =	vadd.s32 v2, v5;
	_ =	sdelay $0x1  }
0x225: {  	v4 =	vperm.xlane v4, v3;
	_ =	sdelay $0x1  }
0x226: {  	s30 =	simm.s32 $0xB400;
	v4 =	vadd.s32 v2, v4  }
0x227: {  	[tilespmem:s30], [sflag:$0x1] =	stream.indirect_vreg.gather [hbm4b:s3+s2], $0x80, v5, vm0, $0xb8;
	[tilespmem:$0x1BC00] =	vst v63  }
0x228: {  	s30 =	simm.s32 $0xBC00  }
0x229: {  	[tilespmem:s30], [sflag:$0x1] =	stream.indirect_vreg.gather [hbm4b:s5+s2], $0x80, v5, vm1, $0xb8;
	[tilespmem:$0x1BC00] =	vst v63  }
0x22a: {  	s30 =	simm.s32 $0xC000  }
0x22b: {  	[tilespmem:s30], [sflag:$0x1] =	stream.indirect_vreg.gather [hbm4b:s3+s2], $0x80, v4, vm0, $0xb8;
	[tilespmem:$0x1BC00] =	vst v63  }
0x22c: {  	s30 =	simm.s32 $0xC800  }
0x22d: {  	[tilespmem:s30], [sflag:$0x1] =	stream.indirect_vreg.gather [hbm4b:s5+s2], $0x80, v4, vm1, $0xb8;
	[tilespmem:$0x1BC00] =	vst v63  }
0x22e: {  	v4 =	vld [tilespmem:s29+$0xFFFFFF70];
	_ =	sdelay $0x4  }
0x22f: {  	v5 =	vshrl.u32 v4, $0x3  }
0x230: {  	v5 =	vmul.u32 $0x18, v5  }
0x231: {  	v4 =	vand.u32 $0x7, v4  }
0x232: {  	v4 =	vor.u32 v4, v5  }
0x233: {  	v5 =	vperm.xlane v4, v1;
	_ =	sdelay $0x1  }
0x234: {  	v5 =	vadd.s32 v2, v5;
	_ =	sdelay $0x1  }
0x235: {  	v4 =	vperm.xlane v4, v3;
	_ =	sdelay $0x1  }
0x236: {  	s30 =	simm.s32 $0xCC00;
	v4 =	vadd.s32 v2, v4  }
0x237: {  	[tilespmem:s30], [sflag:$0x1] =	stream.indirect_vreg.gather [hbm4b:s3+s2], $0x80, v5, vm0, $0xb8;
	[tilespmem:$0x1BC00] =	vst v63  }
0x238: {  	s30 =	simm.s32 $0xD400  }
0x239: {  	[tilespmem:s30], [sflag:$0x1] =	stream.indirect_vreg.gather [hbm4b:s5+s2], $0x80, v5, vm1, $0xb8;
	[tilespmem:$0x1BC00] =	vst v63  }
0x23a: {  	s30 =	simm.s32 $0xD800  }
0x23b: {  	[tilespmem:s30], [sflag:$0x1] =	stream.indirect_vreg.gather [hbm4b:s3+s2], $0x80, v4, vm0, $0xb8;
	[tilespmem:$0x1BC00] =	vst v63  }
0x23c: {  	s30 =	simm.s32 $0xE000  }
0x23d: {  	[tilespmem:s30], [sflag:$0x1] =	stream.indirect_vreg.gather [hbm4b:s5+s2], $0x80, v4, vm1, $0xb8;
	[tilespmem:$0x1BC00] =	vst v63  }
0x23e: {  	v4 =	vld [tilespmem:s29+$0xFFFFFF80];
	_ =	sdelay $0x4  }
0x23f: {  	v5 =	vshrl.u32 v4, $0x3  }
0x240: {  	v5 =	vmul.u32 $0x18, v5  }
0x241: {  	v4 =	vand.u32 $0x7, v4  }
0x242: {  	v4 =	vor.u32 v4, v5  }
0x243: {  	v5 =	vperm.xlane v4, v1;
	_ =	sdelay $0x1  }
0x244: {  	v5 =	vadd.s32 v2, v5;
	_ =	sdelay $0x1  }
0x245: {  	v4 =	vperm.xlane v4, v3;
	_ =	sdelay $0x1  }
0x246: {  	s30 =	simm.s32 $0xE400;
	v4 =	vadd.s32 v2, v4  }
0x247: {  	[tilespmem:s30], [sflag:$0x1] =	stream.indirect_vreg.gather [hbm4b:s3+s2], $0x80, v5, vm0, $0xb8;
	[tilespmem:$0x1BC00] =	vst v63  }
0x248: {  	s30 =	simm.s32 $0xEC00  }
0x249: {  	[tilespmem:s30], [sflag:$0x1] =	stream.indirect_vreg.gather [hbm4b:s5+s2], $0x80, v5, vm1, $0xb8;
	[tilespmem:$0x1BC00] =	vst v63  }
0x24a: {  	s30 =	simm.s32 $0xF000  }
0x24b: {  	[tilespmem:s30], [sflag:$0x1] =	stream.indirect_vreg.gather [hbm4b:s3+s2], $0x80, v4, vm0, $0xb8;
	[tilespmem:$0x1BC00] =	vst v63  }
0x24c: {  	s30 =	simm.s32 $0xF800  }
0x24d: {  	[tilespmem:s30], [sflag:$0x1] =	stream.indirect_vreg.gather [hbm4b:s5+s2], $0x80, v4, vm1, $0xb8;
	[tilespmem:$0x1BC00] =	vst v63  }
.LBB2_7:
0x24e: {  	_ =	swait.ge [sflag:s23], $0xC000  }
0x24f: {  	[sflag:s23] =	ssyncset.done $0x0  }
.Ltmp6:
0x250: {  	s30 =	sadd.s32 s28, s26;
	[sflag:s23] =	ssyncadd.s32 $0xFFFF4000;
	(pc) =	sbr.rel @p0 .LBB2_9-.Ltmp6, $4  }
0x251: {  	[hbm4b:s30+s2] =	stream.linear.scatter [tilespmem:s15], [sflag:$0x4], $0xC000, $0x38;
	[tilespmem:$0x1BC00] =	vst v63  }
0x252: {  	_ =	swait.ge [sflag:s24], $0xC000  }
0x253: {  	[sflag:s24] =	ssyncset.done $0x0  }
0x254: {  	[sflag:s24] =	ssyncadd.s32 $0xFFFF4000  }
0x255: {  	v4 =	vld [tilespmem:s29+$0xFFFFFF90];
	_ =	sdelay $0x4  }
0x256: {  	v5 =	vshrl.u32 v4, $0x3  }
0x257: {  	v5 =	vmul.u32 $0x18, v5  }
0x258: {  	v4 =	vand.u32 $0x7, v4  }
0x259: {  	v4 =	vor.u32 v4, v5  }
0x25a: {  	v5 =	vperm.xlane v4, v1;
	_ =	sdelay $0x1  }
0x25b: {  	v5 =	vadd.s32 v2, v5;
	_ =	sdelay $0x1  }
0x25c: {  	v4 =	vperm.xlane v4, v3;
	_ =	sdelay $0x1  }
0x25d: {  	v4 =	vadd.s32 v2, v4  }
0x25e: {  	[tilespmem:s15], [sflag:$0x2] =	stream.indirect_vreg.gather [hbm4b:s3+s2], $0x80, v5, vm0, $0xb8;
	[tilespmem:$0x1BC00] =	vst v63  }
0x25f: {  	s30 =	simm.s32 $0x10400  }
0x260: {  	[tilespmem:s30], [sflag:$0x2] =	stream.indirect_vreg.gather [hbm4b:s5+s2], $0x80, v5, vm1, $0xb8;
	[tilespmem:$0x1BC00] =	vst v63  }
0x261: {  	s30 =	simm.s32 $0x10800  }
0x262: {  	[tilespmem:s30], [sflag:$0x2] =	stream.indirect_vreg.gather [hbm4b:s3+s2], $0x80, v4, vm0, $0xb8;
	[tilespmem:$0x1BC00] =	vst v63  }
0x263: {  	s30 =	simm.s32 $0x11000  }
0x264: {  	[tilespmem:s30], [sflag:$0x2] =	stream.indirect_vreg.gather [hbm4b:s5+s2], $0x80, v4, vm1, $0xb8;
	[tilespmem:$0x1BC00] =	vst v63  }
0x265: {  	v4 =	vld [tilespmem:s29+$0xFFFFFFA0];
	_ =	sdelay $0x4  }
0x266: {  	v5 =	vshrl.u32 v4, $0x3  }
0x267: {  	v5 =	vmul.u32 $0x18, v5  }
0x268: {  	v4 =	vand.u32 $0x7, v4  }
0x269: {  	v4 =	vor.u32 v4, v5  }
0x26a: {  	v5 =	vperm.xlane v4, v1;
	_ =	sdelay $0x1  }
0x26b: {  	v5 =	vadd.s32 v2, v5;
	_ =	sdelay $0x1  }
0x26c: {  	v4 =	vperm.xlane v4, v3;
	_ =	sdelay $0x1  }
0x26d: {  	s30 =	simm.s32 $0x11400;
	v4 =	vadd.s32 v2, v4  }
0x26e: {  	[tilespmem:s30], [sflag:$0x2] =	stream.indirect_vreg.gather [hbm4b:s3+s2], $0x80, v5, vm0, $0xb8;
	[tilespmem:$0x1BC00] =	vst v63  }
0x26f: {  	s30 =	simm.s32 $0x11C00  }
0x270: {  	[tilespmem:s30], [sflag:$0x2] =	stream.indirect_vreg.gather [hbm4b:s5+s2], $0x80, v5, vm1, $0xb8;
	[tilespmem:$0x1BC00] =	vst v63  }
0x271: {  	s30 =	simm.s32 $0x12000  }
0x272: {  	[tilespmem:s30], [sflag:$0x2] =	stream.indirect_vreg.gather [hbm4b:s3+s2], $0x80, v4, vm0, $0xb8;
	[tilespmem:$0x1BC00] =	vst v63  }
0x273: {  	s30 =	simm.s32 $0x12800  }
0x274: {  	[tilespmem:s30], [sflag:$0x2] =	stream.indirect_vreg.gather [hbm4b:s5+s2], $0x80, v4, vm1, $0xb8;
	[tilespmem:$0x1BC00] =	vst v63  }
0x275: {  	v4 =	vld [tilespmem:s29+$0xFFFFFFB0];
	_ =	sdelay $0x4  }
0x276: {  	v5 =	vshrl.u32 v4, $0x3  }
0x277: {  	v5 =	vmul.u32 $0x18, v5  }
0x278: {  	v4 =	vand.u32 $0x7, v4  }
0x279: {  	v4 =	vor.u32 v4, v5  }
0x27a: {  	v5 =	vperm.xlane v4, v1;
	_ =	sdelay $0x1  }
0x27b: {  	v5 =	vadd.s32 v2, v5;
	_ =	sdelay $0x1  }
0x27c: {  	v4 =	vperm.xlane v4, v3;
	_ =	sdelay $0x1  }
0x27d: {  	s30 =	simm.s32 $0x12C00;
	v4 =	vadd.s32 v2, v4  }
0x27e: {  	[tilespmem:s30], [sflag:$0x2] =	stream.indirect_vreg.gather [hbm4b:s3+s2], $0x80, v5, vm0, $0xb8;
	[tilespmem:$0x1BC00] =	vst v63  }
0x27f: {  	s30 =	simm.s32 $0x13400  }
0x280: {  	[tilespmem:s30], [sflag:$0x2] =	stream.indirect_vreg.gather [hbm4b:s5+s2], $0x80, v5, vm1, $0xb8;
	[tilespmem:$0x1BC00] =	vst v63  }
0x281: {  	s30 =	simm.s32 $0x13800  }
0x282: {  	[tilespmem:s30], [sflag:$0x2] =	stream.indirect_vreg.gather [hbm4b:s3+s2], $0x80, v4, vm0, $0xb8;
	[tilespmem:$0x1BC00] =	vst v63  }
0x283: {  	s30 =	simm.s32 $0x14000  }
0x284: {  	[tilespmem:s30], [sflag:$0x2] =	stream.indirect_vreg.gather [hbm4b:s5+s2], $0x80, v4, vm1, $0xb8;
	[tilespmem:$0x1BC00] =	vst v63  }
0x285: {  	v4 =	vld [tilespmem:s29+$0xFFFFFFC0];
	_ =	sdelay $0x4  }
0x286: {  	v5 =	vshrl.u32 v4, $0x3  }
0x287: {  	v5 =	vmul.u32 $0x18, v5  }
0x288: {  	v4 =	vand.u32 $0x7, v4  }
0x289: {  	v4 =	vor.u32 v4, v5  }
0x28a: {  	v5 =	vperm.xlane v4, v1;
	_ =	sdelay $0x1  }
0x28b: {  	v5 =	vadd.s32 v2, v5;
	_ =	sdelay $0x1  }
0x28c: {  	v4 =	vperm.xlane v4, v3;
	_ =	sdelay $0x1  }
0x28d: {  	s30 =	simm.s32 $0x14400;
	v4 =	vadd.s32 v2, v4  }
0x28e: {  	[tilespmem:s30], [sflag:$0x2] =	stream.indirect_vreg.gather [hbm4b:s3+s2], $0x80, v5, vm0, $0xb8;
	[tilespmem:$0x1BC00] =	vst v63  }
0x28f: {  	s30 =	simm.s32 $0x14C00  }
0x290: {  	[tilespmem:s30], [sflag:$0x2] =	stream.indirect_vreg.gather [hbm4b:s5+s2], $0x80, v5, vm1, $0xb8;
	[tilespmem:$0x1BC00] =	vst v63  }
0x291: {  	s30 =	simm.s32 $0x15000  }
0x292: {  	[tilespmem:s30], [sflag:$0x2] =	stream.indirect_vreg.gather [hbm4b:s3+s2], $0x80, v4, vm0, $0xb8;
	[tilespmem:$0x1BC00] =	vst v63  }
0x293: {  	s30 =	simm.s32 $0x15800  }
0x294: {  	[tilespmem:s30], [sflag:$0x2] =	stream.indirect_vreg.gather [hbm4b:s5+s2], $0x80, v4, vm1, $0xb8;
	[tilespmem:$0x1BC00] =	vst v63  }
0x295: {  	v4 =	vld [tilespmem:s29+$0xFFFFFFD0];
	_ =	sdelay $0x4  }
0x296: {  	v5 =	vshrl.u32 v4, $0x3  }
0x297: {  	v5 =	vmul.u32 $0x18, v5  }
0x298: {  	v4 =	vand.u32 $0x7, v4  }
0x299: {  	v4 =	vor.u32 v4, v5  }
0x29a: {  	v5 =	vperm.xlane v4, v1;
	_ =	sdelay $0x1  }
0x29b: {  	v5 =	vadd.s32 v2, v5;
	_ =	sdelay $0x1  }
0x29c: {  	v4 =	vperm.xlane v4, v3;
	_ =	sdelay $0x1  }
0x29d: {  	v4 =	vadd.s32 v2, v4  }
0x29e: {  	[tilespmem:s0], [sflag:$0x2] =	stream.indirect_vreg.gather [hbm4b:s3+s2], $0x80, v5, vm0, $0xb8;
	[tilespmem:$0x1BC00] =	vst v63  }
0x29f: {  	_ = 	snop  }
0x2a0: {  	[tilespmem:s1], [sflag:$0x2] =	stream.indirect_vreg.gather [hbm4b:s5+s2], $0x80, v5, vm1, $0xb8;
	[tilespmem:$0x1BC00] =	vst v63  }
0x2a1: {  	_ = 	snop  }
0x2a2: {  	[tilespmem:s6], [sflag:$0x2] =	stream.indirect_vreg.gather [hbm4b:s3+s2], $0x80, v4, vm0, $0xb8;
	[tilespmem:$0x1BC00] =	vst v63  }
0x2a3: {  	_ = 	snop  }
0x2a4: {  	[tilespmem:s7], [sflag:$0x2] =	stream.indirect_vreg.gather [hbm4b:s5+s2], $0x80, v4, vm1, $0xb8;
	[tilespmem:$0x1BC00] =	vst v63  }
0x2a5: {  	v4 =	vld [tilespmem:s29+$0xFFFFFFE0];
	_ =	sdelay $0x4  }
0x2a6: {  	v5 =	vshrl.u32 v4, $0x3  }
0x2a7: {  	v5 =	vmul.u32 $0x18, v5  }
0x2a8: {  	v4 =	vand.u32 $0x7, v4  }
0x2a9: {  	v4 =	vor.u32 v4, v5  }
0x2aa: {  	v5 =	vperm.xlane v4, v1;
	_ =	sdelay $0x1  }
0x2ab: {  	v5 =	vadd.s32 v2, v5;
	_ =	sdelay $0x1  }
0x2ac: {  	v4 =	vperm.xlane v4, v3;
	_ =	sdelay $0x1  }
0x2ad: {  	v4 =	vadd.s32 v2, v4  }
0x2ae: {  	[tilespmem:s8], [sflag:$0x2] =	stream.indirect_vreg.gather [hbm4b:s3+s2], $0x80, v5, vm0, $0xb8;
	[tilespmem:$0x1BC00] =	vst v63  }
0x2af: {  	_ = 	snop  }
0x2b0: {  	[tilespmem:s4], [sflag:$0x2] =	stream.indirect_vreg.gather [hbm4b:s5+s2], $0x80, v5, vm1, $0xb8;
	[tilespmem:$0x1BC00] =	vst v63  }
0x2b1: {  	_ = 	snop  }
0x2b2: {  	[tilespmem:s9], [sflag:$0x2] =	stream.indirect_vreg.gather [hbm4b:s3+s2], $0x80, v4, vm0, $0xb8;
	[tilespmem:$0x1BC00] =	vst v63  }
0x2b3: {  	_ = 	snop  }
0x2b4: {  	[tilespmem:s11], [sflag:$0x2] =	stream.indirect_vreg.gather [hbm4b:s5+s2], $0x80, v4, vm1, $0xb8;
	[tilespmem:$0x1BC00] =	vst v63  }
0x2b5: {  	v4 =	vld [tilespmem:s29+$0xFFFFFFF0];
	_ =	sdelay $0x4  }
0x2b6: {  	v5 =	vshrl.u32 v4, $0x3  }
0x2b7: {  	v5 =	vmul.u32 $0x18, v5  }
0x2b8: {  	v4 =	vand.u32 $0x7, v4  }
0x2b9: {  	v4 =	vor.u32 v4, v5  }
0x2ba: {  	v5 =	vperm.xlane v4, v1;
	_ =	sdelay $0x1  }
0x2bb: {  	v5 =	vadd.s32 v2, v5;
	_ =	sdelay $0x1  }
0x2bc: {  	v4 =	vperm.xlane v4, v3;
	_ =	sdelay $0x1  }
0x2bd: {  	v4 =	vadd.s32 v2, v4  }
0x2be: {  	[tilespmem:s12], [sflag:$0x2] =	stream.indirect_vreg.gather [hbm4b:s3+s2], $0x80, v5, vm0, $0xb8;
	[tilespmem:$0x1BC00] =	vst v63  }
0x2bf: {  	_ = 	snop  }
0x2c0: {  	[tilespmem:s13], [sflag:$0x2] =	stream.indirect_vreg.gather [hbm4b:s5+s2], $0x80, v5, vm1, $0xb8;
	[tilespmem:$0x1BC00] =	vst v63  }
0x2c1: {  	_ = 	snop  }
0x2c2: {  	[tilespmem:s14], [sflag:$0x2] =	stream.indirect_vreg.gather [hbm4b:s3+s2], $0x80, v4, vm0, $0xb8;
	[tilespmem:$0x1BC00] =	vst v63  }
0x2c3: {  	_ = 	snop  }
0x2c4: {  	[tilespmem:s16], [sflag:$0x2] =	stream.indirect_vreg.gather [hbm4b:s5+s2], $0x80, v4, vm1, $0xb8;
	[tilespmem:$0x1BC00] =	vst v63  }
0x2c5: {  	v4 =	vld [tilespmem:s29+$0x0];
	_ =	sdelay $0x4  }
0x2c6: {  	v5 =	vshrl.u32 v4, $0x3  }
0x2c7: {  	v5 =	vmul.u32 $0x18, v5  }
0x2c8: {  	v4 =	vand.u32 $0x7, v4  }
0x2c9: {  	v4 =	vor.u32 v4, v5  }
0x2ca: {  	v5 =	vperm.xlane v4, v1;
	_ =	sdelay $0x1  }
0x2cb: {  	v5 =	vadd.s32 v2, v5;
	_ =	sdelay $0x2  }
0x2cc: {  	v4 =	vperm.xlane v4, v3;
	_ =	sdelay $0x1  }
0x2cd: {  	v4 =	vadd.s32 v2, v4;
	[tilespmem:s17], [sflag:$0x2] =	stream.indirect_vreg.gather [hbm4b:s3+s2], $0x80, v5, vm0, $0xb8;
	[tilespmem:$0x1BC00] =	vst v63  }
0x2ce: {  	_ = 	snop  }
0x2cf: {  	[tilespmem:s18], [sflag:$0x2] =	stream.indirect_vreg.gather [hbm4b:s5+s2], $0x80, v5, vm1, $0xb8;
	[tilespmem:$0x1BC00] =	vst v63  }
.Ltmp7:
0x2d0: {  	_ = 	snop;
	(pc) =	sbr.rel .LBB2_5-.Ltmp7, $4  }
0x2d1: {  	_ = 	snop  }
0x2d2: {  	[tilespmem:s19], [sflag:$0x2] =	stream.indirect_vreg.gather [hbm4b:s3+s2], $0x80, v4, vm0, $0xb8;
	[tilespmem:$0x1BC00] =	vst v63  }
0x2d3: {  	s28 =	sadd.s32 $0x3000, s28;
	s29 =	sadd.s32 $0x100, s29  }
0x2d4: {  	[tilespmem:s20], [sflag:$0x2] =	stream.indirect_vreg.gather [hbm4b:s5+s2], $0x80, v4, vm1, $0xb8;
	[tilespmem:$0x1BC00] =	vst v63  }
.LBB2_11:
0x2d5: {  	_ =	sfence.sel $0x180000  }
0x2d6: {  	[bflag:$0x0] =	sbarrier.arrive $0xFFFF  }
0x2d7: {  	_ =	strace $0x90000047  }
0x2d8: {  	s0 =	stileid.u32;
	[bflag:$0x2] =	sbarrier.arrive $0xFFFF  }
0x2d9: {  	p0 =	sne.s32 s0, $0x0;
	s0 =	rddreg [dreg:$0x1]  }
0x2da: {  	s0 =	sadd.s32 @!p0 $0x100000, s0  }
0x2db: {  	[sflag:s0] =	ssyncadd.tile.s32 @!p0 $0x1;
	_ =	shalt  }
.Lfunc_end2:
_tile_overlayer_lowered:
.L_overlay_start_2:
0x2dc: {  	(tag) =	ssettag $0x2  }
0x2dd: {  	s0 =	rddreg [dreg:$0x0];
	s2 =	stileid.u32  }
0x2de: {  	s1 =	rddreg [dreg:$0x1];
	p0 =	sne.s32 s2, $0x0  }
0x2df: {  	s3 =	rddreg [dreg:$0x2];
	[bflag:$0x3] =	sbarrier.arrive $0xFFFF;
	s2 =	simm.s32 @!p0 $0x1C05  }
0x2e0: {  	[timem:s3], [sflag:s2] =	dma.local @!p0 [hbm:s0], s1  }
0x2e1: {  	s0 =	simm.s32 @!p0 $0x5  }
0x2e2: {  	_ =	swait.ge @!p0 [sflag:s0], s1  }
0x2e3: {  	s1 =	ssub.s32 @!p0 $0x0, s1;
	[sflag:s0] =	ssyncset.done @!p0 $0x0  }
0x2e4: {  	[sflag:s0] =	ssyncadd.s32 @!p0 s1  }
0x2e5: {  	[bflag:$0x3] =	sbarrier.arrive $0xFFFF  }
0x2e6: {  	_ =	shalt  }

// kernel: sparse-core-data-format-call.cloned.1.call-start
scs
called_computation_lowered:
.L_overlay_start_0:
0x0: {  	s2 =	sld [smem:$0x3FD9]  }
0x1: {  	s3 =	sld [smem:$0x3FFE];
	_ =	sdelay $0x1  }
0x2: {  	s1 =	srdreg.scid  }
0x3: {  	s0 =	sand.u32 $0x1, s1  }
0x4: {  	s18 =	sshll.u32 s0, $0xA;
	s2 =	sadd.s32 s3, s2  }
0x5: {  	s2 =	sadd.s32 s2, s18  }
0x6: {  	[smem:$0x3FC6] =	sst s2  }
0x7: {  	_ = 	snop  }
0x8: {  	s2 =	sld [smem:$0x3FD0];
	(tm) =	ssettm $0x1  }
0x9: {  	s19 =	sld [smem:$0x3FFB];
	_ =	sdelay $0x3  }
0xa: {  	_ =	strace s19  }
0xb: {  	s3 =	sld [smem:$0x3FFC];
	_ =	sdelay $0x3  }
0xc: {  	_ =	strace s3  }
0xd: {  	s3 =	sld [smem:$0x3FFD];
	_ =	sdelay $0x3  }
0xe: {  	_ =	strace s3  }
0xf: {  	_ =	strace $0x8FFFFFFF  }
0x10: {  	s20 =	sld [smem:$0x3FDB];
	_ =	sdelay $0x1  }
0x11: {  	s4 =	simm.s32 $_scs_section_size  }
0x12: {  	s5 =	simm.s32 $_size__tile_overlayer_lowered;
	s6 =	simm.s32 $_tile_overlayer_lowered  }
0x13: {  	s23 =	simm.s32 $0x1BFF;
	s22 =	sshll.u32 s6, $0x1;
	s3 =	sadd.s32 s4, s20  }
0x14: {  	s7 =	simm.s32 $0x0;
	s21 =	sshll.u32 s5, $0x1;
	s5 =	sadd.s32 s22, s3  }
0x15: {  	[timem:s7], [sflag:s23] =	dma.local [hbm:s5], s21  }
0x16: {  	_ =	swait.ge [sflag:s23], s21  }
0x17: {  	s4 =	ssub.s32 $0x0, s21;
	[sflag:s23] =	ssyncset.done $0x0  }
0x18: {  	[sflag:s23] =	ssyncadd.s32 s4;
	_ =	sdelay $0x1  }
0x19: {  	s24 =	simm.s32 $0x1B8B  }
0x1a: {  	_ =	swait.ge [sflag:s24], $0x1  }
0x1b: {  	[sflag:s24] =	ssyncset.done $0x0  }
0x1c: {  	s26 =	simm.s32 $0x1B8E;
	s25 =	sld [smem:$0x3FFE];
	[sflag:s24] =	ssyncadd.s32 $0xFFFFFFFF  }
0x1d: {  	s27 =	simm.s32 $execute0_lowered;
	[smem:$0x3FD2] =	sst s26  }
0x1e: {  	s5 =	sshll.u32 s27, $0x1;
	_ =	strace $0x80000049;
	[dreg:$0x1] =	wrdreg $0xFFFFFFFF  }
0x1f: {  	s28 =	simm.s32 $_size_execute0_lowered;
	s3 =	sadd.s32 s3, s5;
	[dreg:$0x0] =	wrdreg $0x0  }
0x20: {  	s5 =	sshll.u32 s28, $0x1;
	[dreg:$0x2] =	wrdreg s3  }
0x21: {  	[dreg:$0x3] =	wrdreg s5  }
0x22: {  	[dreg:$0x4] =	wrdreg $0xC0  }
0x23: {  	_ =	task [dreg:s7], $0x5FFFF  }
0x24: {  	[dreg:$0x1] =	wrdreg $0xFFFFFFFF  }
0x25: {  	[dreg:$0x0] =	wrdreg $0x60  }
0x26: {  	[dreg:$0x2] =	wrdreg s25  }
0x27: {  	[dreg:$0x3] =	wrdreg s2  }
0x28: {  	[dreg:$0x4] =	wrdreg $0x9  }
0x29: {  	_ =	task.clear_ibuf [dreg:s7], $0x5FFFF;
	_ =	strace $0x90000049  }
0x2a: {  	s29 =	simm.s32 $0x9;
	_ =	strace $0x8000004B  }
0x2b: {  	_ =	swait.ge [sflag:s29], $0x1  }
0x2c: {  	[sflag:s29] =	ssyncadd.s32 $0xFFFFFFFF  }
0x2d: {  	_ =	strace $0x9000004B  }
0x2e: {  	_ =	sfence  }
0x2f: {  	s30 =	sld [smem:$0x0];
	_ =	sdelay $0x2  }
0x30: {  	s31 =	sshll.u32 s1, $0xD;
	s1 =	sshrl.u32 s1, $0x2  }
0x31: {  	s3 =	sand.u32 $0x4000, s31;
	s1 =	sadd.s32 s1, s30  }
0x32: {  	s0 =	sor.u32 s3, s0;
	s1 =	sshll.u32 s1, $0x11  }
0x33: {  	s0 =	sor.u32 s1, s0  }
0x34: {  	s0 =	sadd.s32 $0x8F2B, s0  }
0x35: {  	[sflag:s0] =	ssyncadd.remote.s32 $0x1  }
0x36: {  	_ =	sfence.sel $0xFFFF  }
0x37: {  	[dreg:$0x0] =	wrdreg $0xFFFFFFFF;
	(pc) =	sbr.abs _section_cstart, $3  }
0x38: {  	[dreg:$0x1] =	wrdreg $0xFFFFFFFF  }
0x39: {  	_ =	task.clear_ibuf [dreg:s7], $0x2FFFF;
	_ =	strace $0x9FFFFFFF  }
0x3a: {  	(tm) =	ssettm $0x7FFFFFFF  }
0x3b: {  	_ =	shalt  }
tec
execute0_lowered:
.L_overlay_start_1:
0x0: {  	(tag) =	ssettag $0x1  }
0x1: {  	s0 =	srdreg.scid;
	s6 =	rddreg [dreg:$0x0]  }
0x2: {  	s3 =	rddreg [dreg:$0x1];
	s1 =	sshll.u32 s0, $0x4  }
0x3: {  	s5 =	simm.s32 $0x1;
	s0 =	stileid.u32;
	s1 =	sand.u32 $0x10, s1  }
0x4: {  	s31 =	simm.s32 $0x2;
	s18 =	simm.s32 $0x0;
	s1 =	sor.u32 s0, s1  }
0x5: {  	s8 =	simm.s32 $0xC8000;
	s17 =	simm.s32 $0x0;
	s2 =	sshll.u32 s1, $0x7  }
0x6: {  	s16 =	simm.s32 $0x0;
	s9 =	simm.s32 $0x0;
	s4 =	ssub.s32 $0x1000, s2  }
0x7: {  	s10 =	simm.s32 $0x0;
	s11 =	simm.s32 $0x0;
	s30 =	sand.u32 $0xF80, s4  }
0x8: {  	s12 =	simm.s32 $0x0;
	s13 =	simm.s32 $0x0;
	p0 =	sne.s32 s30, $0x0  }
.Ltmp0:
0x9: {  	s7 =	sshrl.u32 s4, $0xC;
	s5 =	simm.s32 @!p0 $0x0;
	(pc) =	sbr.rel .LBB1_1-.Ltmp0, $4  }
0xa: {  	s15 =	simm.s32 $0x0;
	s1 =	rddreg [dreg:$0x2];
	s5 =	sadd.s32 s5, s7  }
0xb: {  	_ =	strace $0x8000004A;
	s4 =	simm.s32 $0x1;
	s5 =	smul.u32 $0x258, s5  }
0xc: {  	s6 =	sadd.s32 $0x4B4800, s6;
	s14 =	smov.u32 s2;
	[sflag:s4] =	ssyncpa.u1 $0x0  }
0xd: {  	[sflag:s31] =	ssyncpa.u1 $0x0;
	p0 =	por $0x0, $0x0;
	s7 =	sor.u32 $0x1, s5  }
.LBB1_4:
0xe: {  	s23 =	sshra.s32 s23, $0x2;
	s24 =	sshll.u32 s10, $0xC  }
0xf: {  	p1 =	sgt.s32 s10, $0xC7;
	s26 =	smov.u32 s10;
	s27 =	sshra.s32 s10, $0x1F  }
0x10: {  	s28 =	smov.u32 s9;
	s29 =	sshra.s32 s11, $0x1F;
	s22 =	sadd.s32 s23, s22  }
0x11: {  	s30 =	sand.u32 $0xFFFF8000, s24;
	s24 =	sshll.u32 s11, $0x3;
	s26 =	simm.s32 @!p1 $0xC7  }
0x12: {  	p1 =	sgt.s32 s9, $0xAC;
	s27 =	sand.u32 s27, s10;
	s31 =	sand.u32 s29, s11  }
0x13: {  	s29 =	sshll.u32 s10, $0x7;
	s25 =	sand.u32 $0xFFFFFC00, s24;
	s28 =	simm.s32 @!p1 $0xAC  }
0x14: {  	p1 =	sgt.s32 s11, $0xF80;
	s23 =	sadd.s32 s25, s30;
	s25 =	ssub.s32 s26, s27  }
0x15: {  	[tilespmem:s21+$0x2040 ss:$0x81] =	vst.msk $0xffff, v4;
	s27 =	smov.u32 s11;
	s30 =	sshra.s32 s9, $0x1F;
	s26 =	sadd.s32 $0xFFFFFF39, s25  }
0x16: {  	v5 =	vld [tilespmem:s20+$0xFFFFFFD0];
	[tilespmem:s21+$0x2850 ss:$0x81] =	vst.msk $0xffff, v3;
	s27 =	simm.s32 @!p1 $0xF80;
	s23 =	sshrl.u32 s23, $0xC;
	s25 =	ssub.s32 $0xC8, s25  }
0x17: {  	v58 =	vld [tilespmem:s20+$0xFFFFFFE0];
	[tilespmem:s21+$0x3060 ss:$0x81] =	vst.msk $0xffff, v2;
	p1 =	sgt.s32 s26, $0x0;
	s26 =	ssub.s32 s27, s31;
	s27 =	sand.u32 s30, s9  }
0x18: {  	v59 =	vld [tilespmem:s20+$0xFFFFFFF0];
	[tilespmem:s21+$0x0 ss:$0x81] =	vst.msk $0xffff, v1;
	s21 =	smulhi.u32 $0x147AE15, s23;
	s30 =	sand.u32 $0x78, s11;
	s27 =	ssub.s32 s28, s27  }
0x19: {  	v60 =	vld [tilespmem:s20+$0x0];
	s25 =	simm.s32 @p1 $0x0;
	s31 =	sadd.s32 $0xFFFFF080, s26;
	s26 =	ssub.s32 $0x1000, s26  }
0x1a: {  	v61 =	vld [tilespmem:s20+$0x10];
	[tilespmem:s22+$0x3870 ss:$0x81] =	vst.msk $0xffff, v0;
	p1 =	sgt.s32 s31, $0x7F;
	s28 =	sadd.s32 $0xFFFFFF54, s27;
	s31 =	sand.u32 $0x380, s29  }
0x1b: {  	v62 =	vld [tilespmem:s20+$0x20];
	[tilespmem:s22+$0x810 ss:$0x81] =	vst.msk $0xffff, v5;
	s29 =	sand.u32 $0xC00, s24;
	s21 =	smul.u32 $0xC8, s21;
	s24 =	ssub.s32 $0x12C, s27  }
0x1c: {  	v63 =	vld [tilespmem:s20+$0xFFFFFFC0];
	[tilespmem:s22+$0x1020 ss:$0x81] =	vst.msk $0xffff, v58;
	s26 =	simm.s32 @p1 $0x0;
	s20 =	sor.u32 s30, s29;
	s30 =	smul.u32 $0x19000, s9  }
0x1d: {  	[tilespmem:s22+$0x1830 ss:$0x81] =	vst.msk $0xffff, v59;
	p1 =	sgt.s32 s28, $0x7F;
	s28 =	sand.u32 $0x7, s11;
	s25 =	smul.u32 s26, s25  }
0x1e: {  	[tilespmem:s22+$0x2040 ss:$0x81] =	vst.msk $0xffff, v60;
	s24 =	simm.s32 @p1 $0x0;
	s20 =	sor.u32 s31, s20;
	s21 =	ssub.s32 s23, s21  }
0x1f: {  	[tilespmem:s22+$0x2850 ss:$0x81] =	vst.msk $0xffff, v61;
	s20 =	sshrl.u32 s20, $0x3;
	s27 =	sadd.s32 s3, s30;
	s31 =	smul.u32 s24, s25  }
0x20: {  	[tilespmem:s22+$0x3060 ss:$0x81] =	vst.msk $0xffff, v62;
	s29 =	sshll.u32 s28, $0x12;
	s21 =	sshll.u32 s21, $0x9;
	s20 =	sadd.s32 s20, s27  }
0x21: {  	[tilespmem:s22+$0x0 ss:$0x81] =	vst.msk $0xffff, v63;
	s20 =	sadd.s32 s21, s20;
	s30 =	sand.u32 $0x3FFFFFFF, s31;
	s31 =	sor.u32 $0x80, s29  }
0x22: {  	[hbm4b:s20+s31] =	stream.strided.scatter [tilespmem:s19], [sflag:$0x2], s30, s8, s31, $0x20;
	[tilespmem:$0x10100] =	vst v63  }
.LBB1_5:
0x23: {  	p1 =	slt.u32 s15, $0x2  }
0x24: {  	p2 =	sgt.s32 @!p1 s18, $0xAC  }
0x25: {  	s19 =	smov.u32 s18;
	s20 =	sshra.s32 @!p1 s18, $0x1F;
	p2 =	por !p2, p1  }
0x26: {  	s18 =	sand.u32 @!p1 s20, s18;
	s19 =	simm.s32 @p2 $0xAC  }
0x27: {  	s20 =	sshra.s32 @!p1 s17, $0x1F;
	p2 =	sgt.s32 @!p1 s17, $0xC7;
	s18 =	ssub.s32 @!p1 s19, s18  }
0x28: {  	p2 =	por !p2, p1;
	s19 =	smov.u32 s17;
	s17 =	sand.u32 @!p1 s20, s17  }
0x29: {  	s20 =	sshra.s32 @!p1 s16, $0x1F;
	s19 =	simm.s32 @p2 $0xC7;
	p2 =	sgt.s32 @!p1 s16, $0xF80  }
0x2a: {  	s17 =	ssub.s32 @!p1 s19, s17;
	p2 =	por !p2, p1;
	s19 =	smov.u32 s16  }
0x2b: {  	s16 =	sand.u32 @!p1 s20, s16;
	s20 =	sadd.s32 @!p1 $0xFFFFFF39, s17;
	s19 =	simm.s32 @p2 $0xF80  }
0x2c: {  	p2 =	sgt.s32 @!p1 s20, $0x0;
	s16 =	ssub.s32 @!p1 s19, s16  }
0x2d: {  	s17 =	ssub.s32 @!p1 $0xC8, s17;
	p2 =	por !p2, p1;
	s19 =	sadd.s32 @!p1 $0xFFFFF080, s16  }
0x2e: {  	s17 =	simm.s32 @!p2 $0x0;
	p2 =	sgt.s32 @!p1 s19, $0x7F  }
0x2f: {  	s21 =	smov.u32 s14;
	s16 =	ssub.s32 @!p1 $0x1000, s16;
	p2 =	por !p2, p1  }
0x30: {  	s20 =	sadd.s32 @!p1 $0xFFFFFF54, s18;
	s19 =	sadd.s32 $0x80, s12;
	s16 =	simm.s32 @!p2 $0x0  }
0x31: {  	p2 =	sgt.s32 s19, $0x12B;
	s16 =	smul.u32 @!p1 s16, s17;
	s17 =	simm.s32 $0x1  }
0x32: {  	p0 =	por !p0, !p0;
	p3 =	sgt.s32 @!p1 s20, $0x7F;
	s17 =	simm.s32 @!p2 $0x0  }
0x33: {  	s18 =	ssub.s32 @!p1 $0x12C, s18;
	p3 =	por !p3, p1;
	s20 =	sadd.s32 s17, s13  }
0x34: {  	s18 =	simm.s32 @!p3 $0x0;
	s17 =	sadd.s32 $0x1000, s14;
	p3 =	sgt.s32 s20, $0xC7  }
0x35: {  	s22 =	simm.s32 @!p1 $0x2;
	s19 =	simm.s32 @p2 $0x0;
	s21 =	smov.u32 @p3 s17  }
0x36: {  	s16 =	smul.u32 @!p1 s18, s16;
	s18 =	smov.u32 s9;
	p2 =	sgt.s32 s21, $0xFFF  }
0x37: {  	s9 =	smov.u32 s12;
	s21 =	smov.u32 @p2 s2;
	p2 =	sne.s32 s15, s7  }
.Ltmp1:
0x38: {  	s12 =	smov.u32 s19;
	s16 =	sand.u32 @!p1 $0x3FFFFFFF, s16;
	(pc) =	sbr.rel @!p2 .LBB1_6-.Ltmp1, $4  }
0x39: {  	s20 =	simm.s32 @p3 $0x0;
	s17 =	smov.u32 s10;
	s10 =	smov.u32 s13  }
0x3a: {  	_ =	swait.ge @!p1 [sflag:s22], s16;
	s23 =	ssub.s32 @!p1 $0x0, s16;
	s16 =	smov.u32 s11  }
0x3b: {  	s11 =	smov.u32 s14;
	s13 =	smov.u32 s20;
	[sflag:s22] =	ssyncset.done @!p1 $0x0  }
0x3c: {  	s15 =	sadd.s32 $0x1, s15;
	[sflag:s22] =	ssyncadd.s32 @!p1 s23;
	s14 =	smov.u32 s21  }
.LBB1_1:
0x3d: {  	p1 =	sge.u32 s15, s5  }
0x3e: {  	s19 =	sshrl.u32 @!p1 s13, $0x3  }
0x3f: {  	s20 =	sshll.u32 @!p1 s12, $0x3;
	s19 =	smul.u32 @!p1 $0xC00, s19  }
0x40: {  	s21 =	sshll.u32 @!p1 s13, $0x7;
	s20 =	sand.u32 @!p1 $0xFFFFFC00, s20  }
0x41: {  	s19 =	sadd.s32 @!p1 s19, s20;
	s20 =	sand.u32 @!p1 $0x380, s21  }
0x42: {  	s19 =	sor.u32 @!p1 s20, s19  }
0x43: {  	s20 =	sand.u32 @!p1 $0x7F, s12;
	s21 =	smulhi.u32 @!p1 $0xAAAAAAAB, s19  }
0x44: {  	s19 =	sor.u32 @!p1 s20, s19  }
0x45: {  	s20 =	smulhi.u32 @!p1 $0xAAAAAAAB, s19;
	s21 =	sshrl.u32 @!p1 s21, $0x8  }
0x46: {  	s22 =	smulhi.u32 @!p1 $0x147AE15, s21;
	_ =	sdelay $0x1  }
0x47: {  	s20 =	sshrl.u32 @!p1 s20, $0x8;
	s22 =	smul.u32 @!p1 $0xC8, s22  }
0x48: {  	s31 =	sadd.s32 $0xFFFFFFFF, s15;
	s20 =	smul.u32 @!p1 $0x180, s20  }
0x49: {  	s23 =	sxor.u32 @!p1 $0xFFFFFFFF, s15;
	s21 =	ssub.s32 @!p1 s21, s22;
	s22 =	smul.u32 @!p1 $0x2580, s14  }
0x4a: {  	s23 =	sshll.u32 @!p1 s23, $0xE;
	s19 =	ssub.s32 @!p1 s19, s20;
	s20 =	smul.u32 @!p1 $0x30, s21  }
0x4b: {  	s21 =	sand.u32 @!p1 $0x4000, s23;
	s23 =	sand.u32 @!p1 $0x7, s19;
	s22 =	sadd.s32 @!p1 s6, s22  }
0x4c: {  	s19 =	sshrl.u32 @!p1 s19, $0x3;
	s20 =	sadd.s32 @!p1 s20, s22;
	s22 =	sshll.u32 @!p1 s23, $0x12  }
0x4d: {  	s19 =	sadd.s32 @!p1 s19, s20;
	s20 =	sor.u32 @!p1 $0x80, s22;
	s22 =	simm.s32 @!p1 $0x12C00  }
0x4e: {  	[tilespmem:s21], [sflag:$0x1] =	stream.strided.gather @!p1 [hbm4b:s19+s20], $0x4000, s22, s20, $0x38;
	[tilespmem:$0x10100] =	vst v63  }
0x4f: {  	p1 =	sge.u32 s31, s5  }
.Ltmp2:
0x50: {  	_ = 	snop;
	(pc) =	sbr.rel @p1 .LBB1_5-.Ltmp2, $1  }
0x51: {  	_ =	sdelay $0x3  }
0x52: {  	s19 =	simm.s32 $0x1  }
0x53: {  	_ =	swait.ge [sflag:s4], $0x4000;
	s19 =	simm.s32 @!p0 $0x0  }
0x54: {  	[sflag:s4] =	ssyncset.done $0x0;
	s20 =	sshll.u32 s19, $0xE  }
0x55: {  	[sflag:s4] =	ssyncadd.s32 $0xFFFFC000;
	s20 =	sor.u32 $0x40, s20  }
0x56: {  	s19 =	smul.u32 $0x10200, s19;
	v0 =	vld [tilespmem:s20+$0x30]  }
0x57: {  	v1 =	vld [tilespmem:s20+$0xFFFFFFD0]  }
0x58: {  	s19 =	sshrl.u32 s19, $0x2;
	v5 =	vld [tilespmem:s20+$0xFFFFFFE0]  }
0x59: {  	v6 =	vld [tilespmem:s20+$0xFFFFFFF0];
	s22 =	sor.u32 $0x8000, s19  }
0x5a: {  	s31 =	sand.u32 $0x1, s15;
	v4 =	vld [tilespmem:s20+$0x0];
	s21 =	sadd.s32 $0x0, s22  }
0x5b: {  	v3 =	vld [tilespmem:s20+$0x10];
	s19 =	smul.u32 $0x10200, s31;
	[tilespmem:s21+$0x3870 ss:$0x81] =	vst.msk $0xffff, v0  }
0x5c: {  	v2 =	vld [tilespmem:s20+$0x20];
	[tilespmem:s21+$0x810 ss:$0x81] =	vst.msk $0xffff, v1  }
0x5d: {  	s19 =	sshrl.u32 s19, $0x2;
	v1 =	vld [tilespmem:s20+$0xFFFFFFC0];
	[tilespmem:s21+$0x1020 ss:$0x81] =	vst.msk $0xffff, v5;
	s20 =	sadd.s32 $0x80, s20  }
0x5e: {  	s23 =	simm.s32 $0x4;
	s24 =	simm.s32 $0x8;
	s19 =	sor.u32 $0x8000, s19;
	[tilespmem:s21+$0x1830 ss:$0x81] =	vst.msk $0xffff, v6;
	v0 =	vld [tilespmem:s20+$0x30]  }
.LBB1_3:
0x5f: {  	p1 =	sne.s32 s24, $0x1FC;
	v5 =	vld [tilespmem:s20+$0xFFFFFFD0];
	[tilespmem:s21+$0x2040 ss:$0x81] =	vst.msk $0xffff, v4  }
0x60: {  	v6 =	vld [tilespmem:s20+$0xFFFFFFE0];
	[tilespmem:s21+$0x2850 ss:$0x81] =	vst.msk $0xffff, v3  }
0x61: {  	s25 =	sshra.s32 s23, $0x2;
	s23 =	smov.u32 s24;
	v7 =	vld [tilespmem:s20+$0xFFFFFFF0];
	[tilespmem:s21+$0x3060 ss:$0x81] =	vst.msk $0xffff, v2  }
.Ltmp3:
0x62: {  	v4 =	vld [tilespmem:s20+$0x0];
	[tilespmem:s21+$0x0 ss:$0x81] =	vst.msk $0xffff, v1;
	s21 =	sadd.s32 s25, s22;
	(pc) =	sbr.rel @p1 .LBB1_3-.Ltmp3, $4  }
0x63: {  	v3 =	vld [tilespmem:s20+$0x10];
	[tilespmem:s21+$0x3870 ss:$0x81] =	vst.msk $0xffff, v0  }
0x64: {  	[tilespmem:s21+$0x810 ss:$0x81] =	vst.msk $0xffff, v5;
	v2 =	vld [tilespmem:s20+$0x20]  }
0x65: {  	v1 =	vld [tilespmem:s20+$0xFFFFFFC0];
	[tilespmem:s21+$0x1020 ss:$0x81] =	vst.msk $0xffff, v6;
	s20 =	sadd.s32 $0x80, s20  }
0x66: {  	s24 =	sadd.s32 $0x4, s24;
	v0 =	vld [tilespmem:s20+$0x30];
	[tilespmem:s21+$0x1830 ss:$0x81] =	vst.msk $0xffff, v7  }
.Ltmp4:
0x67: {  	_ = 	snop;
	(pc) =	sbr.rel .LBB1_4-.Ltmp4, $1  }
0x68: {  	_ =	sdelay $0x3  }
.LBB1_6:
0x69: {  	_ =	sfence.sel $0x180000  }
0x6a: {  	s2 =	simm.s32 $0x1;
	[bflag:$0x0] =	sbarrier.arrive $0xFFFF  }
0x6b: {  	s31 =	simm.s32 $0x2;
	[sflag:s2] =	ssyncpa.u1 $0x1  }
0x6c: {  	[sflag:s31] =	ssyncpa.u1 $0x1  }
0x6d: {  	p0 =	sne.s32 s0, $0x0;
	_ =	strace $0x9000004A  }
0x6e: {  	s0 =	sadd.s32 @!p0 $0x100000, s1;
	[bflag:$0x2] =	sbarrier.arrive $0xFFFF  }
0x6f: {  	[sflag:s0] =	ssyncadd.tile.s32 @!p0 $0x1;
	_ =	shalt  }
.Lfunc_end1:
_tile_overlayer_lowered:
.L_overlay_start_2:
0x70: {  	(tag) =	ssettag $0x2  }
0x71: {  	s0 =	rddreg [dreg:$0x0];
	s2 =	stileid.u32  }
0x72: {  	s1 =	rddreg [dreg:$0x1];
	p0 =	sne.s32 s2, $0x0  }
0x73: {  	s3 =	rddreg [dreg:$0x2];
	[bflag:$0x3] =	sbarrier.arrive $0xFFFF;
	s2 =	simm.s32 @!p0 $0x1C01  }
0x74: {  	[timem:s3], [sflag:s2] =	dma.local @!p0 [hbm:s0], s1  }
0x75: {  	s0 =	simm.s32 @!p0 $0x1  }
0x76: {  	_ =	swait.ge @!p0 [sflag:s0], s1  }
0x77: {  	s1 =	ssub.s32 @!p0 $0x0, s1;
	[sflag:s0] =	ssyncset.done @!p0 $0x0  }
0x78: {  	[sflag:s0] =	ssyncadd.s32 @!p0 s1  }
0x79: {  	[bflag:$0x3] =	sbarrier.arrive $0xFFFF  }
0x7a: {  	_ =	shalt  }

</sc_bundles>
